<compile_context>
chip_gen: v7x
topology: tpu7x:2x2x1
jax: 0.10.2.dev20260603
libtpu: 0.0.44.dev20260713+nightly
codegen_flags: <defaults>
</compile_context>

<pallas_src>
import jax
import jax.numpy as jnp
import numpy as np
from jax import lax
from jax.experimental import pallas as pl
from jax.experimental.pallas import tpu as pltpu
from jax.experimental.pallas import tpu_sc as plsc

B = 4096
D_NUM = 100
N_CAT = 26
CAT_SIZE = 1000
D_TOKEN = 128
N_TOK = D_NUM + N_CAT
R = B * N_CAT

NC = 2
NS = 16
NW = NC * NS
PER_W = R // NW
CHUNK = 128
N_CHUNKS = PER_W // CHUNK

_OFFSETS = np.cumsum([0] + [CAT_SIZE] * (N_CAT - 1)).astype(np.int32)
_OFF_PATTERN = np.tile(_OFFSETS, PER_W // N_CAT).reshape(N_CHUNKS, CHUNK)


def _sc_gather_body(xcat_hbm, off_hbm, table_hbm, out_hbm, idx_v, off_v, buf0, buf1, sem0, sem1):
    w = lax.axis_index("c") * NS + lax.axis_index("s")
    base_o = w * PER_W

    pltpu.sync_copy(xcat_hbm.at[w], idx_v)
    pltpu.sync_copy(off_hbm, off_v)

    def add_offsets(r, carry):
        for i in range(CHUNK // 16):
            s = pl.ds(i * 16, 16)
            idx_v[r, s] = idx_v[r, s] + off_v[r, s]
        return carry

    lax.fori_loop(0, N_CHUNKS, add_offsets, 0)

    bufs = (buf0, buf1)
    sems = (sem0, sem1)
    copies = [None, None]
    copies[0] = pltpu.async_copy(table_hbm.at[idx_v.at[0]], bufs[0], sems[0])
    for c in range(N_CHUNKS):
        if c + 1 < N_CHUNKS:
            copies[(c + 1) % 2] = pltpu.async_copy(
                table_hbm.at[idx_v.at[c + 1]], bufs[(c + 1) % 2], sems[(c + 1) % 2])
        copies[c % 2].wait()
        pltpu.sync_copy(bufs[c % 2], out_hbm.at[pl.ds(base_o + c * CHUNK, CHUNK)])


@jax.jit
def _sc_gather(xcat3d, off2d, cat_table):
    mesh = plsc.VectorSubcoreMesh(
        core_axis_name="c", subcore_axis_name="s", num_cores=NC, num_subcores=NS)
    return pl.kernel(
        _sc_gather_body,
        out_type=jax.ShapeDtypeStruct((R, D_TOKEN), jnp.float32),
        mesh=mesh,
        scratch_types=[
            pltpu.VMEM((N_CHUNKS, CHUNK), jnp.int32),
            pltpu.VMEM((N_CHUNKS, CHUNK), jnp.int32),
            pltpu.VMEM((CHUNK, D_TOKEN), jnp.float32),
            pltpu.VMEM((CHUNK, D_TOKEN), jnp.float32),
            pltpu.SemaphoreType.DMA,
            pltpu.SemaphoreType.DMA,
        ],
    )(xcat3d, off2d, cat_table)


BB = 256


def _assemble_body(x_ref, w_ref, cat_ref, out_ref):
    out_ref[:, :D_NUM, :] = x_ref[...][:, :, None] * w_ref[...][None, :, :]
    out_ref[:, D_NUM:, :] = cat_ref[...].reshape(BB, N_CAT, D_TOKEN)


@jax.jit
def _tc_assemble(x_num, weight, cat_tok):
    return pl.pallas_call(
        _assemble_body,
        grid=(B // BB,),
        in_specs=[
            pl.BlockSpec((BB, D_NUM), lambda i: (i, 0)),
            pl.BlockSpec((D_NUM, D_TOKEN), lambda i: (0, 0)),
            pl.BlockSpec((BB * N_CAT, D_TOKEN), lambda i: (i, 0)),
        ],
        out_specs=pl.BlockSpec((BB, N_TOK, D_TOKEN), lambda i: (i, 0, 0)),
        out_shape=jax.ShapeDtypeStruct((B, N_TOK, D_TOKEN), jnp.float32),
    )(x_num, weight, cat_tok)


def kernel(x_num, x_cat, weight, cat_table):
    xcat3d = x_cat.reshape(NW, N_CHUNKS, CHUNK)
    off2d = jnp.asarray(_OFF_PATTERN)
    cat_flat = _sc_gather(xcat3d, off2d, cat_table)
    return _tc_assemble(x_num, weight, cat_flat)

# --- scband reference (transcript-rebuilt; emitter-appended) ---
"""Pipeline reference for scband-tokenizer-68461778698819 (READ-ONLY COPY).

The authoritative reference and input builder live on the scoring server;
editing this copy changes nothing except your own understanding.
"""

import jax, jax.numpy as jnp
import numpy as np

B = 4096
D_NUM = 100
N_CAT = 26
CAT_SIZE = 1000
D_TOKEN = 128
CATEGORIES = [CAT_SIZE] * N_CAT
OFFSETS = np.cumsum([0] + CATEGORIES[:-1]).astype(np.int32)  # [N_CAT]
TOTAL_CAT = int(sum(CATEGORIES))


def setup_inputs(seed: int = 0) -> dict:
    key = jax.random.key(seed)
    k1, k2, k3, k4 = jax.random.split(key, 4)
    x_num = jax.random.normal(k1, (B, D_NUM), dtype=jnp.float32)
    x_cat = jax.random.randint(k2, (B, N_CAT), 0, CAT_SIZE, dtype=jnp.int32)
    # kaiming_uniform_(a=sqrt(5)) on [fan_out, fan_in]-style weight -> bound = 1/sqrt(fan_in)
    bound_w = 1.0 / np.sqrt(D_TOKEN)
    weight = jax.random.uniform(k3, (D_NUM, D_TOKEN), dtype=jnp.float32, minval=-bound_w, maxval=bound_w)
    cat_table = jax.random.uniform(k4, (TOTAL_CAT, D_TOKEN), dtype=jnp.float32, minval=-bound_w, maxval=bound_w)
    return {"x_num": x_num, "x_cat": x_cat, "weight": weight, "cat_table": cat_table}


def reference(x_num, x_cat, weight, cat_table):
    # n_latent_tokens == 0, so the ones-concat is a no-op: x_num stays [B, D_NUM]
    offsets = jnp.asarray(OFFSETS, dtype=x_cat.dtype)  # [N_CAT]
    # numeric tokens: outer-product broadcast weight[None] * x_num[:, :, None]
    x = weight[None, :, :] * x_num[:, :, None]  # [B, D_NUM, D_TOKEN]
    # categorical tokens: embedding gather with per-field offsets
    idx = x_cat + offsets[None, :]  # [B, N_CAT]
    cat_tok = jnp.take(cat_table, idx, axis=0)  # [B, N_CAT, D_TOKEN]
    return jnp.concatenate([x, cat_tok], axis=1)  # [B, D_NUM + N_CAT, D_TOKEN]

if __name__ == "__main__":
    import jax
    _d = setup_inputs()
    print(jax.jit(kernel)(*tuple(_d.values())))

</pallas_src>

<mosaic_0001>
#map = affine_map<(d0, d1) -> (0, 0, 0)>
#map1 = affine_map<(d0, d1) -> (0, 0)>
module attributes {stable_mosaic.version = 14 : i64} {
  func.func @_sc_gather_body(%arg0: i32, %arg1: i32, %arg2: memref<32x26x128xi32, #tpu.memory_space<hbm>>, %arg3: memref<26x128xi32, #tpu.memory_space<hbm>>, %arg4: memref<26000x128xf32, #tpu.memory_space<hbm>>, %arg5: memref<106496x128xf32, #tpu.memory_space<hbm>>, %arg6: memref<26x128xi32, #tpu.memory_space<vmem>>, %arg7: memref<26x128xi32, #tpu.memory_space<vmem>>, %arg8: memref<128x128xf32, #tpu.memory_space<vmem>>, %arg9: memref<128x128xf32, #tpu.memory_space<vmem>>, %arg10: memref<!tpu.dma_semaphore, #tpu.memory_space<semaphore_mem>>, %arg11: memref<!tpu.dma_semaphore, #tpu.memory_space<semaphore_mem>>) attributes {dimension_semantics = [#tpu.dimension_semantics<core_parallel>, #tpu.dimension_semantics<subcore_parallel>], iteration_bounds = array<i64: 2, 16>, scalar_prefetch = 0 : i64, scratch_operands = 6 : i64, tpu.core_type = #tpu.core_type<sc_vector_subcore>, window_params = [{transform_indices = #map}, {transform_indices = #map1}, {transform_indices = #map1}, {transform_indices = #map1}]} {
    %mul3A = arith.constant 16 : i32
    %mul3A_0 = arith.muli %arg0, %mul3A : i32
    %add3A = arith.addi %mul3A_0, %arg1 : i32
    %mul3A_1 = arith.constant 3328 : i32
    %mul3A_2 = arith.muli %add3A, %mul3A_1 : i32
    "tpu.region"() ({
      %run_scoped3A = tpu.sem_alloc : memref<!tpu.dma_semaphore, #tpu.memory_space<semaphore_mem>>
      %dma_start3A_422 = arith.constant 0 : i32
      %dma_start3A_423 = arith.constant 0 : i32
      %dma_start3A_424 = tpu.memref_slice %arg2[%add3A, %dma_start3A_422, %dma_start3A_423] : memref<32x26x128xi32, #tpu.memory_space<hbm>> -> memref<1x26x128xi32, #tpu.memory_space<hbm>>
      %dma_start3A_425 = tpu.memref_squeeze %dma_start3A_424 : memref<1x26x128xi32, #tpu.memory_space<hbm>> -> memref<26x128xi32, #tpu.memory_space<hbm>>
      %dma_start3A_426 = arith.constant 0 : i32
      %dma_start3A_427 = arith.constant 0 : i32
      %dma_start3A_428 = tpu.memref_slice %arg2[%add3A, %dma_start3A_426, %dma_start3A_427] : memref<32x26x128xi32, #tpu.memory_space<hbm>> -> memref<1x26x128xi32, #tpu.memory_space<hbm>>
      %dma_start3A_429 = tpu.memref_squeeze %dma_start3A_428 : memref<1x26x128xi32, #tpu.memory_space<hbm>> -> memref<26x128xi32, #tpu.memory_space<hbm>>
      tpu.enqueue_dma source(%dma_start3A_429 : memref<26x128xi32, #tpu.memory_space<hbm>>) target(%arg6 : memref<26x128xi32, #tpu.memory_space<vmem>>) target_semaphore(%run_scoped3A : memref<!tpu.dma_semaphore, #tpu.memory_space<semaphore_mem>>)
      %dma_wait3A_430 = arith.constant 0 : i32
      %dma_wait3A_431 = arith.constant 0 : i32
      %dma_wait3A_432 = tpu.memref_slice %arg2[%add3A, %dma_wait3A_430, %dma_wait3A_431] : memref<32x26x128xi32, #tpu.memory_space<hbm>> -> memref<1x26x128xi32, #tpu.memory_space<hbm>>
      %dma_wait3A_433 = tpu.memref_squeeze %dma_wait3A_432 : memref<1x26x128xi32, #tpu.memory_space<hbm>> -> memref<26x128xi32, #tpu.memory_space<hbm>>
      %dma_wait3A_434 = arith.constant 0 : i32
      %dma_wait3A_435 = arith.constant 0 : i32
      %dma_wait3A_436 = tpu.memref_slice %arg2[%add3A, %dma_wait3A_434, %dma_wait3A_435] : memref<32x26x128xi32, #tpu.memory_space<hbm>> -> memref<1x26x128xi32, #tpu.memory_space<hbm>>
      %dma_wait3A_437 = tpu.memref_squeeze %dma_wait3A_436 : memref<1x26x128xi32, #tpu.memory_space<hbm>> -> memref<26x128xi32, #tpu.memory_space<hbm>>
      tpu.wait_dma2 semaphore(%run_scoped3A : memref<!tpu.dma_semaphore, #tpu.memory_space<semaphore_mem>>) src(%dma_wait3A_437 : memref<26x128xi32, #tpu.memory_space<hbm>>) dst(%arg6 : memref<26x128xi32, #tpu.memory_space<vmem>>)
      tpu.yield
    }) : () -> ()
    "tpu.region"() ({
      %run_scoped3A = tpu.sem_alloc : memref<!tpu.dma_semaphore, #tpu.memory_space<semaphore_mem>>
      tpu.enqueue_dma source(%arg3 : memref<26x128xi32, #tpu.memory_space<hbm>>) target(%arg7 : memref<26x128xi32, #tpu.memory_space<vmem>>) target_semaphore(%run_scoped3A : memref<!tpu.dma_semaphore, #tpu.memory_space<semaphore_mem>>)
      tpu.wait_dma2 semaphore(%run_scoped3A : memref<!tpu.dma_semaphore, #tpu.memory_space<semaphore_mem>>) src(%arg3 : memref<26x128xi32, #tpu.memory_space<hbm>>) dst(%arg7 : memref<26x128xi32, #tpu.memory_space<vmem>>)
      tpu.yield
    }) : () -> ()
    %scan3A = arith.constant 0 : i32
    %scan3A_3 = arith.constant 0 : i32
    %scan3A_4 = arith.constant 26 : i32
    %scan3A_5 = arith.addi %scan3A_3, %scan3A_4 : i32
    %scan3A_6 = arith.constant 1 : i32
    scf.for %scan3A_422 = %scan3A_3 to %scan3A_5 step %scan3A_6  : i32 {
      %get3A = arith.index_cast %scan3A_422 : i32 to index
      %get3A_423 = arith.constant 0 : index
      %get3A_424 = tpu.vector_load %arg6[%get3A, %get3A_423] {strides = array<i32>} : memref<26x128xi32, #tpu.memory_space<vmem>>, vector<1x16xi32>,
      %get3A_425 = vector.shape_cast %get3A_424 : vector<1x16xi32> to vector<16xi32>
      %get3A_426 = arith.index_cast %scan3A_422 : i32 to index
      %get3A_427 = arith.constant 0 : index
      %get3A_428 = tpu.vector_load %arg7[%get3A_426, %get3A_427] {strides = array<i32>} : memref<26x128xi32, #tpu.memory_space<vmem>>, vector<1x16xi32>,
      %get3A_429 = vector.shape_cast %get3A_428 : vector<1x16xi32> to vector<16xi32>
      %add3A_430 = arith.addi %get3A_425, %get3A_429 : vector<16xi32>
      %swap3A = arith.index_cast %scan3A_422 : i32 to index
      %swap3A_431 = arith.constant 0 : index
      %swap3A_432 = tpu.vector_load %arg6[%swap3A, %swap3A_431] {strides = array<i32>} : memref<26x128xi32, #tpu.memory_space<vmem>>, vector<1x16xi32>,
      %swap3A_433 = vector.shape_cast %swap3A_432 : vector<1x16xi32> to vector<16xi32>
      %swap3A_434 = vector.shape_cast %add3A_430 : vector<16xi32> to vector<1x16xi32>
      tpu.vector_store %arg6[%swap3A, %swap3A_431], %swap3A_434 {strides = array<i32>} : memref<26x128xi32, #tpu.memory_space<vmem>>, vector<1x16xi32>,
      %get3A_435 = arith.index_cast %scan3A_422 : i32 to index
      %get3A_436 = arith.constant 16 : index
      %get3A_437 = tpu.vector_load %arg6[%get3A_435, %get3A_436] {strides = array<i32>} : memref<26x128xi32, #tpu.memory_space<vmem>>, vector<1x16xi32>,
      %get3A_438 = vector.shape_cast %get3A_437 : vector<1x16xi32> to vector<16xi32>
      %get3A_439 = arith.index_cast %scan3A_422 : i32 to index
      %get3A_440 = arith.constant 16 : index
      %get3A_441 = tpu.vector_load %arg7[%get3A_439, %get3A_440] {strides = array<i32>} : memref<26x128xi32, #tpu.memory_space<vmem>>, vector<1x16xi32>,
      %get3A_442 = vector.shape_cast %get3A_441 : vector<1x16xi32> to vector<16xi32>
      %add3A_443 = arith.addi %get3A_438, %get3A_442 : vector<16xi32>
      %swap3A_444 = arith.index_cast %scan3A_422 : i32 to index
      %swap3A_445 = arith.constant 16 : index
      %swap3A_446 = tpu.vector_load %arg6[%swap3A_444, %swap3A_445] {strides = array<i32>} : memref<26x128xi32, #tpu.memory_space<vmem>>, vector<1x16xi32>,
      %swap3A_447 = vector.shape_cast %swap3A_446 : vector<1x16xi32> to vector<16xi32>
      %swap3A_448 = vector.shape_cast %add3A_443 : vector<16xi32> to vector<1x16xi32>
      tpu.vector_store %arg6[%swap3A_444, %swap3A_445], %swap3A_448 {strides = array<i32>} : memref<26x128xi32, #tpu.memory_space<vmem>>, vector<1x16xi32>,
      %get3A_449 = arith.index_cast %scan3A_422 : i32 to index
      %get3A_450 = arith.constant 32 : index
      %get3A_451 = tpu.vector_load %arg6[%get3A_449, %get3A_450] {strides = array<i32>} : memref<26x128xi32, #tpu.memory_space<vmem>>, vector<1x16xi32>,
      %get3A_452 = vector.shape_cast %get3A_451 : vector<1x16xi32> to vector<16xi32>
      %get3A_453 = arith.index_cast %scan3A_422 : i32 to index
      %get3A_454 = arith.constant 32 : index
      %get3A_455 = tpu.vector_load %arg7[%get3A_453, %get3A_454] {strides = array<i32>} : memref<26x128xi32, #tpu.memory_space<vmem>>, vector<1x16xi32>,
      %get3A_456 = vector.shape_cast %get3A_455 : vector<1x16xi32> to vector<16xi32>
      %add3A_457 = arith.addi %get3A_452, %get3A_456 : vector<16xi32>
      %swap3A_458 = arith.index_cast %scan3A_422 : i32 to index
      %swap3A_459 = arith.constant 32 : index
      %swap3A_460 = tpu.vector_load %arg6[%swap3A_458, %swap3A_459] {strides = array<i32>} : memref<26x128xi32, #tpu.memory_space<vmem>>, vector<1x16xi32>,
      %swap3A_461 = vector.shape_cast %swap3A_460 : vector<1x16xi32> to vector<16xi32>
      %swap3A_462 = vector.shape_cast %add3A_457 : vector<16xi32> to vector<1x16xi32>
      tpu.vector_store %arg6[%swap3A_458, %swap3A_459], %swap3A_462 {strides = array<i32>} : memref<26x128xi32, #tpu.memory_space<vmem>>, vector<1x16xi32>,
      %get3A_463 = arith.index_cast %scan3A_422 : i32 to index
      %get3A_464 = arith.constant 48 : index
      %get3A_465 = tpu.vector_load %arg6[%get3A_463, %get3A_464] {strides = array<i32>} : memref<26x128xi32, #tpu.memory_space<vmem>>, vector<1x16xi32>,
      %get3A_466 = vector.shape_cast %get3A_465 : vector<1x16xi32> to vector<16xi32>
      %get3A_467 = arith.index_cast %scan3A_422 : i32 to index
      %get3A_468 = arith.constant 48 : index
      %get3A_469 = tpu.vector_load %arg7[%get3A_467, %get3A_468] {strides = array<i32>} : memref<26x128xi32, #tpu.memory_space<vmem>>, vector<1x16xi32>,
      %get3A_470 = vector.shape_cast %get3A_469 : vector<1x16xi32> to vector<16xi32>
      %add3A_471 = arith.addi %get3A_466, %get3A_470 : vector<16xi32>
      %swap3A_472 = arith.index_cast %scan3A_422 : i32 to index
      %swap3A_473 = arith.constant 48 : index
      %swap3A_474 = tpu.vector_load %arg6[%swap3A_472, %swap3A_473] {strides = array<i32>} : memref<26x128xi32, #tpu.memory_space<vmem>>, vector<1x16xi32>,
      %swap3A_475 = vector.shape_cast %swap3A_474 : vector<1x16xi32> to vector<16xi32>
      %swap3A_476 = vector.shape_cast %add3A_471 : vector<16xi32> to vector<1x16xi32>
      tpu.vector_store %arg6[%swap3A_472, %swap3A_473], %swap3A_476 {strides = array<i32>} : memref<26x128xi32, #tpu.memory_space<vmem>>, vector<1x16xi32>,
      %get3A_477 = arith.index_cast %scan3A_422 : i32 to index
      %get3A_478 = arith.constant 64 : index
      %get3A_479 = tpu.vector_load %arg6[%get3A_477, %get3A_478] {strides = array<i32>} : memref<26x128xi32, #tpu.memory_space<vmem>>, vector<1x16xi32>,
      %get3A_480 = vector.shape_cast %get3A_479 : vector<1x16xi32> to vector<16xi32>
      %get3A_481 = arith.index_cast %scan3A_422 : i32 to index
      %get3A_482 = arith.constant 64 : index
      %get3A_483 = tpu.vector_load %arg7[%get3A_481, %get3A_482] {strides = array<i32>} : memref<26x128xi32, #tpu.memory_space<vmem>>, vector<1x16xi32>,
      %get3A_484 = vector.shape_cast %get3A_483 : vector<1x16xi32> to vector<16xi32>
      %add3A_485 = arith.addi %get3A_480, %get3A_484 : vector<16xi32>
      %swap3A_486 = arith.index_cast %scan3A_422 : i32 to index
      %swap3A_487 = arith.constant 64 : index
      %swap3A_488 = tpu.vector_load %arg6[%swap3A_486, %swap3A_487] {strides = array<i32>} : memref<26x128xi32, #tpu.memory_space<vmem>>, vector<1x16xi32>,
      %swap3A_489 = vector.shape_cast %swap3A_488 : vector<1x16xi32> to vector<16xi32>
      %swap3A_490 = vector.shape_cast %add3A_485 : vector<16xi32> to vector<1x16xi32>
      tpu.vector_store %arg6[%swap3A_486, %swap3A_487], %swap3A_490 {strides = array<i32>} : memref<26x128xi32, #tpu.memory_space<vmem>>, vector<1x16xi32>,
      %get3A_491 = arith.index_cast %scan3A_422 : i32 to index
      %get3A_492 = arith.constant 80 : index
      %get3A_493 = tpu.vector_load %arg6[%get3A_491, %get3A_492] {strides = array<i32>} : memref<26x128xi32, #tpu.memory_space<vmem>>, vector<1x16xi32>,
      %get3A_494 = vector.shape_cast %get3A_493 : vector<1x16xi32> to vector<16xi32>
      %get3A_495 = arith.index_cast %scan3A_422 : i32 to index
      %get3A_496 = arith.constant 80 : index
      %get3A_497 = tpu.vector_load %arg7[%get3A_495, %get3A_496] {strides = array<i32>} : memref<26x128xi32, #tpu.memory_space<vmem>>, vector<1x16xi32>,
      %get3A_498 = vector.shape_cast %get3A_497 : vector<1x16xi32> to vector<16xi32>
      %add3A_499 = arith.addi %get3A_494, %get3A_498 : vector<16xi32>
      %swap3A_500 = arith.index_cast %scan3A_422 : i32 to index
      %swap3A_501 = arith.constant 80 : index
      %swap3A_502 = tpu.vector_load %arg6[%swap3A_500, %swap3A_501] {strides = array<i32>} : memref<26x128xi32, #tpu.memory_space<vmem>>, vector<1x16xi32>,
      %swap3A_503 = vector.shape_cast %swap3A_502 : vector<1x16xi32> to vector<16xi32>
      %swap3A_504 = vector.shape_cast %add3A_499 : vector<16xi32> to vector<1x16xi32>
      tpu.vector_store %arg6[%swap3A_500, %swap3A_501], %swap3A_504 {strides = array<i32>} : memref<26x128xi32, #tpu.memory_space<vmem>>, vector<1x16xi32>,
      %get3A_505 = arith.index_cast %scan3A_422 : i32 to index
      %get3A_506 = arith.constant 96 : index
      %get3A_507 = tpu.vector_load %arg6[%get3A_505, %get3A_506] {strides = array<i32>} : memref<26x128xi32, #tpu.memory_space<vmem>>, vector<1x16xi32>,
      %get3A_508 = vector.shape_cast %get3A_507 : vector<1x16xi32> to vector<16xi32>
      %get3A_509 = arith.index_cast %scan3A_422 : i32 to index
      %get3A_510 = arith.constant 96 : index
      %get3A_511 = tpu.vector_load %arg7[%get3A_509, %get3A_510] {strides = array<i32>} : memref<26x128xi32, #tpu.memory_space<vmem>>, vector<1x16xi32>,
      %get3A_512 = vector.shape_cast %get3A_511 : vector<1x16xi32> to vector<16xi32>
      %add3A_513 = arith.addi %get3A_508, %get3A_512 : vector<16xi32>
      %swap3A_514 = arith.index_cast %scan3A_422 : i32 to index
      %swap3A_515 = arith.constant 96 : index
      %swap3A_516 = tpu.vector_load %arg6[%swap3A_514, %swap3A_515] {strides = array<i32>} : memref<26x128xi32, #tpu.memory_space<vmem>>, vector<1x16xi32>,
      %swap3A_517 = vector.shape_cast %swap3A_516 : vector<1x16xi32> to vector<16xi32>
      %swap3A_518 = vector.shape_cast %add3A_513 : vector<16xi32> to vector<1x16xi32>
      tpu.vector_store %arg6[%swap3A_514, %swap3A_515], %swap3A_518 {strides = array<i32>} : memref<26x128xi32, #tpu.memory_space<vmem>>, vector<1x16xi32>,
      %get3A_519 = arith.index_cast %scan3A_422 : i32 to index
      %get3A_520 = arith.constant 112 : index
      %get3A_521 = tpu.vector_load %arg6[%get3A_519, %get3A_520] {strides = array<i32>} : memref<26x128xi32, #tpu.memory_space<vmem>>, vector<1x16xi32>,
      %get3A_522 = vector.shape_cast %get3A_521 : vector<1x16xi32> to vector<16xi32>
      %get3A_523 = arith.index_cast %scan3A_422 : i32 to index
      %get3A_524 = arith.constant 112 : index
      %get3A_525 = tpu.vector_load %arg7[%get3A_523, %get3A_524] {strides = array<i32>} : memref<26x128xi32, #tpu.memory_space<vmem>>, vector<1x16xi32>,
      %get3A_526 = vector.shape_cast %get3A_525 : vector<1x16xi32> to vector<16xi32>
      %add3A_527 = arith.addi %get3A_522, %get3A_526 : vector<16xi32>
      %swap3A_528 = arith.index_cast %scan3A_422 : i32 to index
      %swap3A_529 = arith.constant 112 : index
      %swap3A_530 = tpu.vector_load %arg6[%swap3A_528, %swap3A_529] {strides = array<i32>} : memref<26x128xi32, #tpu.memory_space<vmem>>, vector<1x16xi32>,
      %swap3A_531 = vector.shape_cast %swap3A_530 : vector<1x16xi32> to vector<16xi32>
      %swap3A_532 = vector.shape_cast %add3A_527 : vector<16xi32> to vector<1x16xi32>
      tpu.vector_store %arg6[%swap3A_528, %swap3A_529], %swap3A_532 {strides = array<i32>} : memref<26x128xi32, #tpu.memory_space<vmem>>, vector<1x16xi32>,
    }
    %scan3A_7 = arith.constant 26 : i32
    %dma_start3A = arith.constant 0 : i32
    %dma_start3A_8 = arith.constant 0 : i32
    %dma_start3A_9 = tpu.memref_slice %arg6[%dma_start3A, %dma_start3A_8] : memref<26x128xi32, #tpu.memory_space<vmem>> -> memref<1x128xi32, #tpu.memory_space<vmem>>
    %dma_start3A_10 = tpu.memref_squeeze %dma_start3A_9 : memref<1x128xi32, #tpu.memory_space<vmem>> -> memref<128xi32, #tpu.memory_space<vmem>>
    %dma_start3A_11 = arith.constant 0 : i32
    %dma_start3A_12 = arith.constant 0 : i32
    %dma_start3A_13 = tpu.memref_slice %arg4[%dma_start3A_11, %dma_start3A_12] : memref<26000x128xf32, #tpu.memory_space<hbm>> -> memref<26000x128xf32, #tpu.memory_space<hbm>>
    tpu.enqueue_indirect_dma source(%dma_start3A_13 : memref<26000x128xf32, #tpu.memory_space<hbm>>) target(%arg8 : memref<128x128xf32, #tpu.memory_space<vmem>>) offsets(%dma_start3A_10 : memref<128xi32, #tpu.memory_space<vmem>>) semaphore(%arg10 : memref<!tpu.dma_semaphore, #tpu.memory_space<semaphore_mem>>)
    %dma_start3A_14 = arith.constant 1 : i32
    %dma_start3A_15 = arith.constant 0 : i32
    %dma_start3A_16 = tpu.memref_slice %arg6[%dma_start3A_14, %dma_start3A_15] : memref<26x128xi32, #tpu.memory_space<vmem>> -> memref<1x128xi32, #tpu.memory_space<vmem>>
    %dma_start3A_17 = tpu.memref_squeeze %dma_start3A_16 : memref<1x128xi32, #tpu.memory_space<vmem>> -> memref<128xi32, #tpu.memory_space<vmem>>
    %dma_start3A_18 = arith.constant 0 : i32
    %dma_start3A_19 = arith.constant 0 : i32
    %dma_start3A_20 = tpu.memref_slice %arg4[%dma_start3A_18, %dma_start3A_19] : memref<26000x128xf32, #tpu.memory_space<hbm>> -> memref<26000x128xf32, #tpu.memory_space<hbm>>
    tpu.enqueue_indirect_dma source(%dma_start3A_20 : memref<26000x128xf32, #tpu.memory_space<hbm>>) target(%arg9 : memref<128x128xf32, #tpu.memory_space<vmem>>) offsets(%dma_start3A_17 : memref<128xi32, #tpu.memory_space<vmem>>) semaphore(%arg11 : memref<!tpu.dma_semaphore, #tpu.memory_space<semaphore_mem>>)
    %dma_wait3A = arith.constant 0 : i32
    %dma_wait3A_21 = arith.constant 0 : i32
    %dma_wait3A_22 = tpu.memref_slice %arg6[%dma_wait3A, %dma_wait3A_21] : memref<26x128xi32, #tpu.memory_space<vmem>> -> memref<1x128xi32, #tpu.memory_space<vmem>>
    %dma_wait3A_23 = tpu.memref_squeeze %dma_wait3A_22 : memref<1x128xi32, #tpu.memory_space<vmem>> -> memref<128xi32, #tpu.memory_space<vmem>>
    %dma_wait3A_24 = arith.constant 0 : i32
    %dma_wait3A_25 = arith.constant 0 : i32
    %dma_wait3A_26 = tpu.memref_slice %arg4[%dma_wait3A_24, %dma_wait3A_25] : memref<26000x128xf32, #tpu.memory_space<hbm>> -> memref<26000x128xf32, #tpu.memory_space<hbm>>
    tpu.wait_indirect_dma semaphore(%arg10 : memref<!tpu.dma_semaphore, #tpu.memory_space<semaphore_mem>>) src(%dma_wait3A_26 : memref<26000x128xf32, #tpu.memory_space<hbm>>) dst(%arg8 : memref<128x128xf32, #tpu.memory_space<vmem>>)
    %add3A_27 = arith.constant 0 : i32
    %add3A_28 = arith.addi %mul3A_2, %add3A_27 : i32
    "tpu.region"() ({
      %run_scoped3A = tpu.sem_alloc : memref<!tpu.dma_semaphore, #tpu.memory_space<semaphore_mem>>
      %dma_start3A_422 = arith.constant 0 : i32
      %dma_start3A_423 = tpu.memref_slice %arg5[%add3A_28, %dma_start3A_422] : memref<106496x128xf32, #tpu.memory_space<hbm>> -> memref<128x128xf32, #tpu.memory_space<hbm>>
      %dma_start3A_424 = arith.constant 0 : i32
      %dma_start3A_425 = tpu.memref_slice %arg5[%add3A_28, %dma_start3A_424] : memref<106496x128xf32, #tpu.memory_space<hbm>> -> memref<128x128xf32, #tpu.memory_space<hbm>>
      tpu.enqueue_dma source(%arg8 : memref<128x128xf32, #tpu.memory_space<vmem>>) target(%dma_start3A_425 : memref<128x128xf32, #tpu.memory_space<hbm>>) target_semaphore(%run_scoped3A : memref<!tpu.dma_semaphore, #tpu.memory_space<semaphore_mem>>)
      %dma_wait3A_426 = arith.constant 0 : i32
      %dma_wait3A_427 = tpu.memref_slice %arg5[%add3A_28, %dma_wait3A_426] : memref<106496x128xf32, #tpu.memory_space<hbm>> -> memref<128x128xf32, #tpu.memory_space<hbm>>
      %dma_wait3A_428 = arith.constant 0 : i32
      %dma_wait3A_429 = tpu.memref_slice %arg5[%add3A_28, %dma_wait3A_428] : memref<106496x128xf32, #tpu.memory_space<hbm>> -> memref<128x128xf32, #tpu.memory_space<hbm>>
      tpu.wait_dma2 semaphore(%run_scoped3A : memref<!tpu.dma_semaphore, #tpu.memory_space<semaphore_mem>>) src(%arg8 : memref<128x128xf32, #tpu.memory_space<vmem>>) dst(%dma_wait3A_429 : memref<128x128xf32, #tpu.memory_space<hbm>>)
      tpu.yield
    }) : () -> ()
    %dma_start3A_29 = arith.constant 2 : i32
    %dma_start3A_30 = arith.constant 0 : i32
    %dma_start3A_31 = tpu.memref_slice %arg6[%dma_start3A_29, %dma_start3A_30] : memref<26x128xi32, #tpu.memory_space<vmem>> -> memref<1x128xi32, #tpu.memory_space<vmem>>
    %dma_start3A_32 = tpu.memref_squeeze %dma_start3A_31 : memref<1x128xi32, #tpu.memory_space<vmem>> -> memref<128xi32, #tpu.memory_space<vmem>>
    %dma_start3A_33 = arith.constant 0 : i32
    %dma_start3A_34 = arith.constant 0 : i32
    %dma_start3A_35 = tpu.memref_slice %arg4[%dma_start3A_33, %dma_start3A_34] : memref<26000x128xf32, #tpu.memory_space<hbm>> -> memref<26000x128xf32, #tpu.memory_space<hbm>>
    tpu.enqueue_indirect_dma source(%dma_start3A_35 : memref<26000x128xf32, #tpu.memory_space<hbm>>) target(%arg8 : memref<128x128xf32, #tpu.memory_space<vmem>>) offsets(%dma_start3A_32 : memref<128xi32, #tpu.memory_space<vmem>>) semaphore(%arg10 : memref<!tpu.dma_semaphore, #tpu.memory_space<semaphore_mem>>)
    %dma_wait3A_36 = arith.constant 1 : i32
    %dma_wait3A_37 = arith.constant 0 : i32
    %dma_wait3A_38 = tpu.memref_slice %arg6[%dma_wait3A_36, %dma_wait3A_37] : memref<26x128xi32, #tpu.memory_space<vmem>> -> memref<1x128xi32, #tpu.memory_space<vmem>>
    %dma_wait3A_39 = tpu.memref_squeeze %dma_wait3A_38 : memref<1x128xi32, #tpu.memory_space<vmem>> -> memref<128xi32, #tpu.memory_space<vmem>>
    %dma_wait3A_40 = arith.constant 0 : i32
    %dma_wait3A_41 = arith.constant 0 : i32
    %dma_wait3A_42 = tpu.memref_slice %arg4[%dma_wait3A_40, %dma_wait3A_41] : memref<26000x128xf32, #tpu.memory_space<hbm>> -> memref<26000x128xf32, #tpu.memory_space<hbm>>
    tpu.wait_indirect_dma semaphore(%arg11 : memref<!tpu.dma_semaphore, #tpu.memory_space<semaphore_mem>>) src(%dma_wait3A_42 : memref<26000x128xf32, #tpu.memory_space<hbm>>) dst(%arg9 : memref<128x128xf32, #tpu.memory_space<vmem>>)
    %add3A_43 = arith.constant 128 : i32
    %add3A_44 = arith.addi %mul3A_2, %add3A_43 : i32
    "tpu.region"() ({
      %run_scoped3A = tpu.sem_alloc : memref<!tpu.dma_semaphore, #tpu.memory_space<semaphore_mem>>
      %dma_start3A_422 = arith.constant 0 : i32
      %dma_start3A_423 = tpu.memref_slice %arg5[%add3A_44, %dma_start3A_422] : memref<106496x128xf32, #tpu.memory_space<hbm>> -> memref<128x128xf32, #tpu.memory_space<hbm>>
      %dma_start3A_424 = arith.constant 0 : i32
      %dma_start3A_425 = tpu.memref_slice %arg5[%add3A_44, %dma_start3A_424] : memref<106496x128xf32, #tpu.memory_space<hbm>> -> memref<128x128xf32, #tpu.memory_space<hbm>>
      tpu.enqueue_dma source(%arg9 : memref<128x128xf32, #tpu.memory_space<vmem>>) target(%dma_start3A_425 : memref<128x128xf32, #tpu.memory_space<hbm>>) target_semaphore(%run_scoped3A : memref<!tpu.dma_semaphore, #tpu.memory_space<semaphore_mem>>)
      %dma_wait3A_426 = arith.constant 0 : i32
      %dma_wait3A_427 = tpu.memref_slice %arg5[%add3A_44, %dma_wait3A_426] : memref<106496x128xf32, #tpu.memory_space<hbm>> -> memref<128x128xf32, #tpu.memory_space<hbm>>
      %dma_wait3A_428 = arith.constant 0 : i32
      %dma_wait3A_429 = tpu.memref_slice %arg5[%add3A_44, %dma_wait3A_428] : memref<106496x128xf32, #tpu.memory_space<hbm>> -> memref<128x128xf32, #tpu.memory_space<hbm>>
      tpu.wait_dma2 semaphore(%run_scoped3A : memref<!tpu.dma_semaphore, #tpu.memory_space<semaphore_mem>>) src(%arg9 : memref<128x128xf32, #tpu.memory_space<vmem>>) dst(%dma_wait3A_429 : memref<128x128xf32, #tpu.memory_space<hbm>>)
      tpu.yield
    }) : () -> ()
    %dma_start3A_45 = arith.constant 3 : i32
    %dma_start3A_46 = arith.constant 0 : i32
    %dma_start3A_47 = tpu.memref_slice %arg6[%dma_start3A_45, %dma_start3A_46] : memref<26x128xi32, #tpu.memory_space<vmem>> -> memref<1x128xi32, #tpu.memory_space<vmem>>
    %dma_start3A_48 = tpu.memref_squeeze %dma_start3A_47 : memref<1x128xi32, #tpu.memory_space<vmem>> -> memref<128xi32, #tpu.memory_space<vmem>>
    %dma_start3A_49 = arith.constant 0 : i32
    %dma_start3A_50 = arith.constant 0 : i32
    %dma_start3A_51 = tpu.memref_slice %arg4[%dma_start3A_49, %dma_start3A_50] : memref<26000x128xf32, #tpu.memory_space<hbm>> -> memref<26000x128xf32, #tpu.memory_space<hbm>>
    tpu.enqueue_indirect_dma source(%dma_start3A_51 : memref<26000x128xf32, #tpu.memory_space<hbm>>) target(%arg9 : memref<128x128xf32, #tpu.memory_space<vmem>>) offsets(%dma_start3A_48 : memref<128xi32, #tpu.memory_space<vmem>>) semaphore(%arg11 : memref<!tpu.dma_semaphore, #tpu.memory_space<semaphore_mem>>)
    %dma_wait3A_52 = arith.constant 2 : i32
    %dma_wait3A_53 = arith.constant 0 : i32
    %dma_wait3A_54 = tpu.memref_slice %arg6[%dma_wait3A_52, %dma_wait3A_53] : memref<26x128xi32, #tpu.memory_space<vmem>> -> memref<1x128xi32, #tpu.memory_space<vmem>>
    %dma_wait3A_55 = tpu.memref_squeeze %dma_wait3A_54 : memref<1x128xi32, #tpu.memory_space<vmem>> -> memref<128xi32, #tpu.memory_space<vmem>>
    %dma_wait3A_56 = arith.constant 0 : i32
    %dma_wait3A_57 = arith.constant 0 : i32
    %dma_wait3A_58 = tpu.memref_slice %arg4[%dma_wait3A_56, %dma_wait3A_57] : memref<26000x128xf32, #tpu.memory_space<hbm>> -> memref<26000x128xf32, #tpu.memory_space<hbm>>
    tpu.wait_indirect_dma semaphore(%arg10 : memref<!tpu.dma_semaphore, #tpu.memory_space<semaphore_mem>>) src(%dma_wait3A_58 : memref<26000x128xf32, #tpu.memory_space<hbm>>) dst(%arg8 : memref<128x128xf32, #tpu.memory_space<vmem>>)
    %add3A_59 = arith.constant 256 : i32
    %add3A_60 = arith.addi %mul3A_2, %add3A_59 : i32
    "tpu.region"() ({
      %run_scoped3A = tpu.sem_alloc : memref<!tpu.dma_semaphore, #tpu.memory_space<semaphore_mem>>
      %dma_start3A_422 = arith.constant 0 : i32
      %dma_start3A_423 = tpu.memref_slice %arg5[%add3A_60, %dma_start3A_422] : memref<106496x128xf32, #tpu.memory_space<hbm>> -> memref<128x128xf32, #tpu.memory_space<hbm>>
      %dma_start3A_424 = arith.constant 0 : i32
      %dma_start3A_425 = tpu.memref_slice %arg5[%add3A_60, %dma_start3A_424] : memref<106496x128xf32, #tpu.memory_space<hbm>> -> memref<128x128xf32, #tpu.memory_space<hbm>>
      tpu.enqueue_dma source(%arg8 : memref<128x128xf32, #tpu.memory_space<vmem>>) target(%dma_start3A_425 : memref<128x128xf32, #tpu.memory_space<hbm>>) target_semaphore(%run_scoped3A : memref<!tpu.dma_semaphore, #tpu.memory_space<semaphore_mem>>)
      %dma_wait3A_426 = arith.constant 0 : i32
      %dma_wait3A_427 = tpu.memref_slice %arg5[%add3A_60, %dma_wait3A_426] : memref<106496x128xf32, #tpu.memory_space<hbm>> -> memref<128x128xf32, #tpu.memory_space<hbm>>
      %dma_wait3A_428 = arith.constant 0 : i32
      %dma_wait3A_429 = tpu.memref_slice %arg5[%add3A_60, %dma_wait3A_428] : memref<106496x128xf32, #tpu.memory_space<hbm>> -> memref<128x128xf32, #tpu.memory_space<hbm>>
      tpu.wait_dma2 semaphore(%run_scoped3A : memref<!tpu.dma_semaphore, #tpu.memory_space<semaphore_mem>>) src(%arg8 : memref<128x128xf32, #tpu.memory_space<vmem>>) dst(%dma_wait3A_429 : memref<128x128xf32, #tpu.memory_space<hbm>>)
      tpu.yield
    }) : () -> ()
    %dma_start3A_61 = arith.constant 4 : i32
    %dma_start3A_62 = arith.constant 0 : i32
    %dma_start3A_63 = tpu.memref_slice %arg6[%dma_start3A_61, %dma_start3A_62] : memref<26x128xi32, #tpu.memory_space<vmem>> -> memref<1x128xi32, #tpu.memory_space<vmem>>
    %dma_start3A_64 = tpu.memref_squeeze %dma_start3A_63 : memref<1x128xi32, #tpu.memory_space<vmem>> -> memref<128xi32, #tpu.memory_space<vmem>>
    %dma_start3A_65 = arith.constant 0 : i32
    %dma_start3A_66 = arith.constant 0 : i32
    %dma_start3A_67 = tpu.memref_slice %arg4[%dma_start3A_65, %dma_start3A_66] : memref<26000x128xf32, #tpu.memory_space<hbm>> -> memref<26000x128xf32, #tpu.memory_space<hbm>>
    tpu.enqueue_indirect_dma source(%dma_start3A_67 : memref<26000x128xf32, #tpu.memory_space<hbm>>) target(%arg8 : memref<128x128xf32, #tpu.memory_space<vmem>>) offsets(%dma_start3A_64 : memref<128xi32, #tpu.memory_space<vmem>>) semaphore(%arg10 : memref<!tpu.dma_semaphore, #tpu.memory_space<semaphore_mem>>)
    %dma_wait3A_68 = arith.constant 3 : i32
    %dma_wait3A_69 = arith.constant 0 : i32
    %dma_wait3A_70 = tpu.memref_slice %arg6[%dma_wait3A_68, %dma_wait3A_69] : memref<26x128xi32, #tpu.memory_space<vmem>> -> memref<1x128xi32, #tpu.memory_space<vmem>>
    %dma_wait3A_71 = tpu.memref_squeeze %dma_wait3A_70 : memref<1x128xi32, #tpu.memory_space<vmem>> -> memref<128xi32, #tpu.memory_space<vmem>>
    %dma_wait3A_72 = arith.constant 0 : i32
    %dma_wait3A_73 = arith.constant 0 : i32
    %dma_wait3A_74 = tpu.memref_slice %arg4[%dma_wait3A_72, %dma_wait3A_73] : memref<26000x128xf32, #tpu.memory_space<hbm>> -> memref<26000x128xf32, #tpu.memory_space<hbm>>
    tpu.wait_indirect_dma semaphore(%arg11 : memref<!tpu.dma_semaphore, #tpu.memory_space<semaphore_mem>>) src(%dma_wait3A_74 : memref<26000x128xf32, #tpu.memory_space<hbm>>) dst(%arg9 : memref<128x128xf32, #tpu.memory_space<vmem>>)
    %add3A_75 = arith.constant 384 : i32
    %add3A_76 = arith.addi %mul3A_2, %add3A_75 : i32
    "tpu.region"() ({
      %run_scoped3A = tpu.sem_alloc : memref<!tpu.dma_semaphore, #tpu.memory_space<semaphore_mem>>
      %dma_start3A_422 = arith.constant 0 : i32
      %dma_start3A_423 = tpu.memref_slice %arg5[%add3A_76, %dma_start3A_422] : memref<106496x128xf32, #tpu.memory_space<hbm>> -> memref<128x128xf32, #tpu.memory_space<hbm>>
      %dma_start3A_424 = arith.constant 0 : i32
      %dma_start3A_425 = tpu.memref_slice %arg5[%add3A_76, %dma_start3A_424] : memref<106496x128xf32, #tpu.memory_space<hbm>> -> memref<128x128xf32, #tpu.memory_space<hbm>>
      tpu.enqueue_dma source(%arg9 : memref<128x128xf32, #tpu.memory_space<vmem>>) target(%dma_start3A_425 : memref<128x128xf32, #tpu.memory_space<hbm>>) target_semaphore(%run_scoped3A : memref<!tpu.dma_semaphore, #tpu.memory_space<semaphore_mem>>)
      %dma_wait3A_426 = arith.constant 0 : i32
      %dma_wait3A_427 = tpu.memref_slice %arg5[%add3A_76, %dma_wait3A_426] : memref<106496x128xf32, #tpu.memory_space<hbm>> -> memref<128x128xf32, #tpu.memory_space<hbm>>
      %dma_wait3A_428 = arith.constant 0 : i32
      %dma_wait3A_429 = tpu.memref_slice %arg5[%add3A_76, %dma_wait3A_428] : memref<106496x128xf32, #tpu.memory_space<hbm>> -> memref<128x128xf32, #tpu.memory_space<hbm>>
      tpu.wait_dma2 semaphore(%run_scoped3A : memref<!tpu.dma_semaphore, #tpu.memory_space<semaphore_mem>>) src(%arg9 : memref<128x128xf32, #tpu.memory_space<vmem>>) dst(%dma_wait3A_429 : memref<128x128xf32, #tpu.memory_space<hbm>>)
      tpu.yield
    }) : () -> ()
    %dma_start3A_77 = arith.constant 5 : i32
    %dma_start3A_78 = arith.constant 0 : i32
    %dma_start3A_79 = tpu.memref_slice %arg6[%dma_start3A_77, %dma_start3A_78] : memref<26x128xi32, #tpu.memory_space<vmem>> -> memref<1x128xi32, #tpu.memory_space<vmem>>
    %dma_start3A_80 = tpu.memref_squeeze %dma_start3A_79 : memref<1x128xi32, #tpu.memory_space<vmem>> -> memref<128xi32, #tpu.memory_space<vmem>>
    %dma_start3A_81 = arith.constant 0 : i32
    %dma_start3A_82 = arith.constant 0 : i32
    %dma_start3A_83 = tpu.memref_slice %arg4[%dma_start3A_81, %dma_start3A_82] : memref<26000x128xf32, #tpu.memory_space<hbm>> -> memref<26000x128xf32, #tpu.memory_space<hbm>>
    tpu.enqueue_indirect_dma source(%dma_start3A_83 : memref<26000x128xf32, #tpu.memory_space<hbm>>) target(%arg9 : memref<128x128xf32, #tpu.memory_space<vmem>>) offsets(%dma_start3A_80 : memref<128xi32, #tpu.memory_space<vmem>>) semaphore(%arg11 : memref<!tpu.dma_semaphore, #tpu.memory_space<semaphore_mem>>)
    %dma_wait3A_84 = arith.constant 4 : i32
    %dma_wait3A_85 = arith.constant 0 : i32
    %dma_wait3A_86 = tpu.memref_slice %arg6[%dma_wait3A_84, %dma_wait3A_85] : memref<26x128xi32, #tpu.memory_space<vmem>> -> memref<1x128xi32, #tpu.memory_space<vmem>>
    %dma_wait3A_87 = tpu.memref_squeeze %dma_wait3A_86 : memref<1x128xi32, #tpu.memory_space<vmem>> -> memref<128xi32, #tpu.memory_space<vmem>>
    %dma_wait3A_88 = arith.constant 0 : i32
    %dma_wait3A_89 = arith.constant 0 : i32
    %dma_wait3A_90 = tpu.memref_slice %arg4[%dma_wait3A_88, %dma_wait3A_89] : memref<26000x128xf32, #tpu.memory_space<hbm>> -> memref<26000x128xf32, #tpu.memory_space<hbm>>
    tpu.wait_indirect_dma semaphore(%arg10 : memref<!tpu.dma_semaphore, #tpu.memory_space<semaphore_mem>>) src(%dma_wait3A_90 : memref<26000x128xf32, #tpu.memory_space<hbm>>) dst(%arg8 : memref<128x128xf32, #tpu.memory_space<vmem>>)
    %add3A_91 = arith.constant 512 : i32
    %add3A_92 = arith.addi %mul3A_2, %add3A_91 : i32
    "tpu.region"() ({
      %run_scoped3A = tpu.sem_alloc : memref<!tpu.dma_semaphore, #tpu.memory_space<semaphore_mem>>
      %dma_start3A_422 = arith.constant 0 : i32
      %dma_start3A_423 = tpu.memref_slice %arg5[%add3A_92, %dma_start3A_422] : memref<106496x128xf32, #tpu.memory_space<hbm>> -> memref<128x128xf32, #tpu.memory_space<hbm>>
      %dma_start3A_424 = arith.constant 0 : i32
      %dma_start3A_425 = tpu.memref_slice %arg5[%add3A_92, %dma_start3A_424] : memref<106496x128xf32, #tpu.memory_space<hbm>> -> memref<128x128xf32, #tpu.memory_space<hbm>>
      tpu.enqueue_dma source(%arg8 : memref<128x128xf32, #tpu.memory_space<vmem>>) target(%dma_start3A_425 : memref<128x128xf32, #tpu.memory_space<hbm>>) target_semaphore(%run_scoped3A : memref<!tpu.dma_semaphore, #tpu.memory_space<semaphore_mem>>)
      %dma_wait3A_426 = arith.constant 0 : i32
      %dma_wait3A_427 = tpu.memref_slice %arg5[%add3A_92, %dma_wait3A_426] : memref<106496x128xf32, #tpu.memory_space<hbm>> -> memref<128x128xf32, #tpu.memory_space<hbm>>
      %dma_wait3A_428 = arith.constant 0 : i32
      %dma_wait3A_429 = tpu.memref_slice %arg5[%add3A_92, %dma_wait3A_428] : memref<106496x128xf32, #tpu.memory_space<hbm>> -> memref<128x128xf32, #tpu.memory_space<hbm>>
      tpu.wait_dma2 semaphore(%run_scoped3A : memref<!tpu.dma_semaphore, #tpu.memory_space<semaphore_mem>>) src(%arg8 : memref<128x128xf32, #tpu.memory_space<vmem>>) dst(%dma_wait3A_429 : memref<128x128xf32, #tpu.memory_space<hbm>>)
      tpu.yield
    }) : () -> ()
    %dma_start3A_93 = arith.constant 6 : i32
    %dma_start3A_94 = arith.constant 0 : i32
    %dma_start3A_95 = tpu.memref_slice %arg6[%dma_start3A_93, %dma_start3A_94] : memref<26x128xi32, #tpu.memory_space<vmem>> -> memref<1x128xi32, #tpu.memory_space<vmem>>
    %dma_start3A_96 = tpu.memref_squeeze %dma_start3A_95 : memref<1x128xi32, #tpu.memory_space<vmem>> -> memref<128xi32, #tpu.memory_space<vmem>>
    %dma_start3A_97 = arith.constant 0 : i32
    %dma_start3A_98 = arith.constant 0 : i32
    %dma_start3A_99 = tpu.memref_slice %arg4[%dma_start3A_97, %dma_start3A_98] : memref<26000x128xf32, #tpu.memory_space<hbm>> -> memref<26000x128xf32, #tpu.memory_space<hbm>>
    tpu.enqueue_indirect_dma source(%dma_start3A_99 : memref<26000x128xf32, #tpu.memory_space<hbm>>) target(%arg8 : memref<128x128xf32, #tpu.memory_space<vmem>>) offsets(%dma_start3A_96 : memref<128xi32, #tpu.memory_space<vmem>>) semaphore(%arg10 : memref<!tpu.dma_semaphore, #tpu.memory_space<semaphore_mem>>)
    %dma_wait3A_100 = arith.constant 5 : i32
    %dma_wait3A_101 = arith.constant 0 : i32
    %dma_wait3A_102 = tpu.memref_slice %arg6[%dma_wait3A_100, %dma_wait3A_101] : memref<26x128xi32, #tpu.memory_space<vmem>> -> memref<1x128xi32, #tpu.memory_space<vmem>>
    %dma_wait3A_103 = tpu.memref_squeeze %dma_wait3A_102 : memref<1x128xi32, #tpu.memory_space<vmem>> -> memref<128xi32, #tpu.memory_space<vmem>>
    %dma_wait3A_104 = arith.constant 0 : i32
    %dma_wait3A_105 = arith.constant 0 : i32
    %dma_wait3A_106 = tpu.memref_slice %arg4[%dma_wait3A_104, %dma_wait3A_105] : memref<26000x128xf32, #tpu.memory_space<hbm>> -> memref<26000x128xf32, #tpu.memory_space<hbm>>
    tpu.wait_indirect_dma semaphore(%arg11 : memref<!tpu.dma_semaphore, #tpu.memory_space<semaphore_mem>>) src(%dma_wait3A_106 : memref<26000x128xf32, #tpu.memory_space<hbm>>) dst(%arg9 : memref<128x128xf32, #tpu.memory_space<vmem>>)
    %add3A_107 = arith.constant 640 : i32
    %add3A_108 = arith.addi %mul3A_2, %add3A_107 : i32
    "tpu.region"() ({
      %run_scoped3A = tpu.sem_alloc : memref<!tpu.dma_semaphore, #tpu.memory_space<semaphore_mem>>
      %dma_start3A_422 = arith.constant 0 : i32
      %dma_start3A_423 = tpu.memref_slice %arg5[%add3A_108, %dma_start3A_422] : memref<106496x128xf32, #tpu.memory_space<hbm>> -> memref<128x128xf32, #tpu.memory_space<hbm>>
      %dma_start3A_424 = arith.constant 0 : i32
      %dma_start3A_425 = tpu.memref_slice %arg5[%add3A_108, %dma_start3A_424] : memref<106496x128xf32, #tpu.memory_space<hbm>> -> memref<128x128xf32, #tpu.memory_space<hbm>>
      tpu.enqueue_dma source(%arg9 : memref<128x128xf32, #tpu.memory_space<vmem>>) target(%dma_start3A_425 : memref<128x128xf32, #tpu.memory_space<hbm>>) target_semaphore(%run_scoped3A : memref<!tpu.dma_semaphore, #tpu.memory_space<semaphore_mem>>)
      %dma_wait3A_426 = arith.constant 0 : i32
      %dma_wait3A_427 = tpu.memref_slice %arg5[%add3A_108, %dma_wait3A_426] : memref<106496x128xf32, #tpu.memory_space<hbm>> -> memref<128x128xf32, #tpu.memory_space<hbm>>
      %dma_wait3A_428 = arith.constant 0 : i32
      %dma_wait3A_429 = tpu.memref_slice %arg5[%add3A_108, %dma_wait3A_428] : memref<106496x128xf32, #tpu.memory_space<hbm>> -> memref<128x128xf32, #tpu.memory_space<hbm>>
      tpu.wait_dma2 semaphore(%run_scoped3A : memref<!tpu.dma_semaphore, #tpu.memory_space<semaphore_mem>>) src(%arg9 : memref<128x128xf32, #tpu.memory_space<vmem>>) dst(%dma_wait3A_429 : memref<128x128xf32, #tpu.memory_space<hbm>>)
      tpu.yield
    }) : () -> ()
    %dma_start3A_109 = arith.constant 7 : i32
    %dma_start3A_110 = arith.constant 0 : i32
    %dma_start3A_111 = tpu.memref_slice %arg6[%dma_start3A_109, %dma_start3A_110] : memref<26x128xi32, #tpu.memory_space<vmem>> -> memref<1x128xi32, #tpu.memory_space<vmem>>
    %dma_start3A_112 = tpu.memref_squeeze %dma_start3A_111 : memref<1x128xi32, #tpu.memory_space<vmem>> -> memref<128xi32, #tpu.memory_space<vmem>>
    %dma_start3A_113 = arith.constant 0 : i32
    %dma_start3A_114 = arith.constant 0 : i32
    %dma_start3A_115 = tpu.memref_slice %arg4[%dma_start3A_113, %dma_start3A_114] : memref<26000x128xf32, #tpu.memory_space<hbm>> -> memref<26000x128xf32, #tpu.memory_space<hbm>>
    tpu.enqueue_indirect_dma source(%dma_start3A_115 : memref<26000x128xf32, #tpu.memory_space<hbm>>) target(%arg9 : memref<128x128xf32, #tpu.memory_space<vmem>>) offsets(%dma_start3A_112 : memref<128xi32, #tpu.memory_space<vmem>>) semaphore(%arg11 : memref<!tpu.dma_semaphore, #tpu.memory_space<semaphore_mem>>)
    %dma_wait3A_116 = arith.constant 6 : i32
    %dma_wait3A_117 = arith.constant 0 : i32
    %dma_wait3A_118 = tpu.memref_slice %arg6[%dma_wait3A_116, %dma_wait3A_117] : memref<26x128xi32, #tpu.memory_space<vmem>> -> memref<1x128xi32, #tpu.memory_space<vmem>>
    %dma_wait3A_119 = tpu.memref_squeeze %dma_wait3A_118 : memref<1x128xi32, #tpu.memory_space<vmem>> -> memref<128xi32, #tpu.memory_space<vmem>>
    %dma_wait3A_120 = arith.constant 0 : i32
    %dma_wait3A_121 = arith.constant 0 : i32
    %dma_wait3A_122 = tpu.memref_slice %arg4[%dma_wait3A_120, %dma_wait3A_121] : memref<26000x128xf32, #tpu.memory_space<hbm>> -> memref<26000x128xf32, #tpu.memory_space<hbm>>
    tpu.wait_indirect_dma semaphore(%arg10 : memref<!tpu.dma_semaphore, #tpu.memory_space<semaphore_mem>>) src(%dma_wait3A_122 : memref<26000x128xf32, #tpu.memory_space<hbm>>) dst(%arg8 : memref<128x128xf32, #tpu.memory_space<vmem>>)
    %add3A_123 = arith.constant 768 : i32
    %add3A_124 = arith.addi %mul3A_2, %add3A_123 : i32
    "tpu.region"() ({
      %run_scoped3A = tpu.sem_alloc : memref<!tpu.dma_semaphore, #tpu.memory_space<semaphore_mem>>
      %dma_start3A_422 = arith.constant 0 : i32
      %dma_start3A_423 = tpu.memref_slice %arg5[%add3A_124, %dma_start3A_422] : memref<106496x128xf32, #tpu.memory_space<hbm>> -> memref<128x128xf32, #tpu.memory_space<hbm>>
      %dma_start3A_424 = arith.constant 0 : i32
      %dma_start3A_425 = tpu.memref_slice %arg5[%add3A_124, %dma_start3A_424] : memref<106496x128xf32, #tpu.memory_space<hbm>> -> memref<128x128xf32, #tpu.memory_space<hbm>>
      tpu.enqueue_dma source(%arg8 : memref<128x128xf32, #tpu.memory_space<vmem>>) target(%dma_start3A_425 : memref<128x128xf32, #tpu.memory_space<hbm>>) target_semaphore(%run_scoped3A : memref<!tpu.dma_semaphore, #tpu.memory_space<semaphore_mem>>)
      %dma_wait3A_426 = arith.constant 0 : i32
      %dma_wait3A_427 = tpu.memref_slice %arg5[%add3A_124, %dma_wait3A_426] : memref<106496x128xf32, #tpu.memory_space<hbm>> -> memref<128x128xf32, #tpu.memory_space<hbm>>
      %dma_wait3A_428 = arith.constant 0 : i32
      %dma_wait3A_429 = tpu.memref_slice %arg5[%add3A_124, %dma_wait3A_428] : memref<106496x128xf32, #tpu.memory_space<hbm>> -> memref<128x128xf32, #tpu.memory_space<hbm>>
      tpu.wait_dma2 semaphore(%run_scoped3A : memref<!tpu.dma_semaphore, #tpu.memory_space<semaphore_mem>>) src(%arg8 : memref<128x128xf32, #tpu.memory_space<vmem>>) dst(%dma_wait3A_429 : memref<128x128xf32, #tpu.memory_space<hbm>>)
      tpu.yield
    }) : () -> ()
    %dma_start3A_125 = arith.constant 8 : i32
    %dma_start3A_126 = arith.constant 0 : i32
    %dma_start3A_127 = tpu.memref_slice %arg6[%dma_start3A_125, %dma_start3A_126] : memref<26x128xi32, #tpu.memory_space<vmem>> -> memref<1x128xi32, #tpu.memory_space<vmem>>
    %dma_start3A_128 = tpu.memref_squeeze %dma_start3A_127 : memref<1x128xi32, #tpu.memory_space<vmem>> -> memref<128xi32, #tpu.memory_space<vmem>>
    %dma_start3A_129 = arith.constant 0 : i32
    %dma_start3A_130 = arith.constant 0 : i32
    %dma_start3A_131 = tpu.memref_slice %arg4[%dma_start3A_129, %dma_start3A_130] : memref<26000x128xf32, #tpu.memory_space<hbm>> -> memref<26000x128xf32, #tpu.memory_space<hbm>>
    tpu.enqueue_indirect_dma source(%dma_start3A_131 : memref<26000x128xf32, #tpu.memory_space<hbm>>) target(%arg8 : memref<128x128xf32, #tpu.memory_space<vmem>>) offsets(%dma_start3A_128 : memref<128xi32, #tpu.memory_space<vmem>>) semaphore(%arg10 : memref<!tpu.dma_semaphore, #tpu.memory_space<semaphore_mem>>)
    %dma_wait3A_132 = arith.constant 7 : i32
    %dma_wait3A_133 = arith.constant 0 : i32
    %dma_wait3A_134 = tpu.memref_slice %arg6[%dma_wait3A_132, %dma_wait3A_133] : memref<26x128xi32, #tpu.memory_space<vmem>> -> memref<1x128xi32, #tpu.memory_space<vmem>>
    %dma_wait3A_135 = tpu.memref_squeeze %dma_wait3A_134 : memref<1x128xi32, #tpu.memory_space<vmem>> -> memref<128xi32, #tpu.memory_space<vmem>>
    %dma_wait3A_136 = arith.constant 0 : i32
    %dma_wait3A_137 = arith.constant 0 : i32
    %dma_wait3A_138 = tpu.memref_slice %arg4[%dma_wait3A_136, %dma_wait3A_137] : memref<26000x128xf32, #tpu.memory_space<hbm>> -> memref<26000x128xf32, #tpu.memory_space<hbm>>
    tpu.wait_indirect_dma semaphore(%arg11 : memref<!tpu.dma_semaphore, #tpu.memory_space<semaphore_mem>>) src(%dma_wait3A_138 : memref<26000x128xf32, #tpu.memory_space<hbm>>) dst(%arg9 : memref<128x128xf32, #tpu.memory_space<vmem>>)
    %add3A_139 = arith.constant 896 : i32
    %add3A_140 = arith.addi %mul3A_2, %add3A_139 : i32
    "tpu.region"() ({
      %run_scoped3A = tpu.sem_alloc : memref<!tpu.dma_semaphore, #tpu.memory_space<semaphore_mem>>
      %dma_start3A_422 = arith.constant 0 : i32
      %dma_start3A_423 = tpu.memref_slice %arg5[%add3A_140, %dma_start3A_422] : memref<106496x128xf32, #tpu.memory_space<hbm>> -> memref<128x128xf32, #tpu.memory_space<hbm>>
      %dma_start3A_424 = arith.constant 0 : i32
      %dma_start3A_425 = tpu.memref_slice %arg5[%add3A_140, %dma_start3A_424] : memref<106496x128xf32, #tpu.memory_space<hbm>> -> memref<128x128xf32, #tpu.memory_space<hbm>>
      tpu.enqueue_dma source(%arg9 : memref<128x128xf32, #tpu.memory_space<vmem>>) target(%dma_start3A_425 : memref<128x128xf32, #tpu.memory_space<hbm>>) target_semaphore(%run_scoped3A : memref<!tpu.dma_semaphore, #tpu.memory_space<semaphore_mem>>)
      %dma_wait3A_426 = arith.constant 0 : i32
      %dma_wait3A_427 = tpu.memref_slice %arg5[%add3A_140, %dma_wait3A_426] : memref<106496x128xf32, #tpu.memory_space<hbm>> -> memref<128x128xf32, #tpu.memory_space<hbm>>
      %dma_wait3A_428 = arith.constant 0 : i32
      %dma_wait3A_429 = tpu.memref_slice %arg5[%add3A_140, %dma_wait3A_428] : memref<106496x128xf32, #tpu.memory_space<hbm>> -> memref<128x128xf32, #tpu.memory_space<hbm>>
      tpu.wait_dma2 semaphore(%run_scoped3A : memref<!tpu.dma_semaphore, #tpu.memory_space<semaphore_mem>>) src(%arg9 : memref<128x128xf32, #tpu.memory_space<vmem>>) dst(%dma_wait3A_429 : memref<128x128xf32, #tpu.memory_space<hbm>>)
      tpu.yield
    }) : () -> ()
    %dma_start3A_141 = arith.constant 9 : i32
    %dma_start3A_142 = arith.constant 0 : i32
    %dma_start3A_143 = tpu.memref_slice %arg6[%dma_start3A_141, %dma_start3A_142] : memref<26x128xi32, #tpu.memory_space<vmem>> -> memref<1x128xi32, #tpu.memory_space<vmem>>
    %dma_start3A_144 = tpu.memref_squeeze %dma_start3A_143 : memref<1x128xi32, #tpu.memory_space<vmem>> -> memref<128xi32, #tpu.memory_space<vmem>>
    %dma_start3A_145 = arith.constant 0 : i32
    %dma_start3A_146 = arith.constant 0 : i32
    %dma_start3A_147 = tpu.memref_slice %arg4[%dma_start3A_145, %dma_start3A_146] : memref<26000x128xf32, #tpu.memory_space<hbm>> -> memref<26000x128xf32, #tpu.memory_space<hbm>>
    tpu.enqueue_indirect_dma source(%dma_start3A_147 : memref<26000x128xf32, #tpu.memory_space<hbm>>) target(%arg9 : memref<128x128xf32, #tpu.memory_space<vmem>>) offsets(%dma_start3A_144 : memref<128xi32, #tpu.memory_space<vmem>>) semaphore(%arg11 : memref<!tpu.dma_semaphore, #tpu.memory_space<semaphore_mem>>)
    %dma_wait3A_148 = arith.constant 8 : i32
    %dma_wait3A_149 = arith.constant 0 : i32
    %dma_wait3A_150 = tpu.memref_slice %arg6[%dma_wait3A_148, %dma_wait3A_149] : memref<26x128xi32, #tpu.memory_space<vmem>> -> memref<1x128xi32, #tpu.memory_space<vmem>>
    %dma_wait3A_151 = tpu.memref_squeeze %dma_wait3A_150 : memref<1x128xi32, #tpu.memory_space<vmem>> -> memref<128xi32, #tpu.memory_space<vmem>>
    %dma_wait3A_152 = arith.constant 0 : i32
    %dma_wait3A_153 = arith.constant 0 : i32
    %dma_wait3A_154 = tpu.memref_slice %arg4[%dma_wait3A_152, %dma_wait3A_153] : memref<26000x128xf32, #tpu.memory_space<hbm>> -> memref<26000x128xf32, #tpu.memory_space<hbm>>
    tpu.wait_indirect_dma semaphore(%arg10 : memref<!tpu.dma_semaphore, #tpu.memory_space<semaphore_mem>>) src(%dma_wait3A_154 : memref<26000x128xf32, #tpu.memory_space<hbm>>) dst(%arg8 : memref<128x128xf32, #tpu.memory_space<vmem>>)
    %add3A_155 = arith.constant 1024 : i32
    %add3A_156 = arith.addi %mul3A_2, %add3A_155 : i32
    "tpu.region"() ({
      %run_scoped3A = tpu.sem_alloc : memref<!tpu.dma_semaphore, #tpu.memory_space<semaphore_mem>>
      %dma_start3A_422 = arith.constant 0 : i32
      %dma_start3A_423 = tpu.memref_slice %arg5[%add3A_156, %dma_start3A_422] : memref<106496x128xf32, #tpu.memory_space<hbm>> -> memref<128x128xf32, #tpu.memory_space<hbm>>
      %dma_start3A_424 = arith.constant 0 : i32
      %dma_start3A_425 = tpu.memref_slice %arg5[%add3A_156, %dma_start3A_424] : memref<106496x128xf32, #tpu.memory_space<hbm>> -> memref<128x128xf32, #tpu.memory_space<hbm>>
      tpu.enqueue_dma source(%arg8 : memref<128x128xf32, #tpu.memory_space<vmem>>) target(%dma_start3A_425 : memref<128x128xf32, #tpu.memory_space<hbm>>) target_semaphore(%run_scoped3A : memref<!tpu.dma_semaphore, #tpu.memory_space<semaphore_mem>>)
      %dma_wait3A_426 = arith.constant 0 : i32
      %dma_wait3A_427 = tpu.memref_slice %arg5[%add3A_156, %dma_wait3A_426] : memref<106496x128xf32, #tpu.memory_space<hbm>> -> memref<128x128xf32, #tpu.memory_space<hbm>>
      %dma_wait3A_428 = arith.constant 0 : i32
      %dma_wait3A_429 = tpu.memref_slice %arg5[%add3A_156, %dma_wait3A_428] : memref<106496x128xf32, #tpu.memory_space<hbm>> -> memref<128x128xf32, #tpu.memory_space<hbm>>
      tpu.wait_dma2 semaphore(%run_scoped3A : memref<!tpu.dma_semaphore, #tpu.memory_space<semaphore_mem>>) src(%arg8 : memref<128x128xf32, #tpu.memory_space<vmem>>) dst(%dma_wait3A_429 : memref<128x128xf32, #tpu.memory_space<hbm>>)
      tpu.yield
    }) : () -> ()
    %dma_start3A_157 = arith.constant 10 : i32
    %dma_start3A_158 = arith.constant 0 : i32
    %dma_start3A_159 = tpu.memref_slice %arg6[%dma_start3A_157, %dma_start3A_158] : memref<26x128xi32, #tpu.memory_space<vmem>> -> memref<1x128xi32, #tpu.memory_space<vmem>>
    %dma_start3A_160 = tpu.memref_squeeze %dma_start3A_159 : memref<1x128xi32, #tpu.memory_space<vmem>> -> memref<128xi32, #tpu.memory_space<vmem>>
    %dma_start3A_161 = arith.constant 0 : i32
    %dma_start3A_162 = arith.constant 0 : i32
    %dma_start3A_163 = tpu.memref_slice %arg4[%dma_start3A_161, %dma_start3A_162] : memref<26000x128xf32, #tpu.memory_space<hbm>> -> memref<26000x128xf32, #tpu.memory_space<hbm>>
    tpu.enqueue_indirect_dma source(%dma_start3A_163 : memref<26000x128xf32, #tpu.memory_space<hbm>>) target(%arg8 : memref<128x128xf32, #tpu.memory_space<vmem>>) offsets(%dma_start3A_160 : memref<128xi32, #tpu.memory_space<vmem>>) semaphore(%arg10 : memref<!tpu.dma_semaphore, #tpu.memory_space<semaphore_mem>>)
    %dma_wait3A_164 = arith.constant 9 : i32
    %dma_wait3A_165 = arith.constant 0 : i32
    %dma_wait3A_166 = tpu.memref_slice %arg6[%dma_wait3A_164, %dma_wait3A_165] : memref<26x128xi32, #tpu.memory_space<vmem>> -> memref<1x128xi32, #tpu.memory_space<vmem>>
    %dma_wait3A_167 = tpu.memref_squeeze %dma_wait3A_166 : memref<1x128xi32, #tpu.memory_space<vmem>> -> memref<128xi32, #tpu.memory_space<vmem>>
    %dma_wait3A_168 = arith.constant 0 : i32
    %dma_wait3A_169 = arith.constant 0 : i32
    %dma_wait3A_170 = tpu.memref_slice %arg4[%dma_wait3A_168, %dma_wait3A_169] : memref<26000x128xf32, #tpu.memory_space<hbm>> -> memref<26000x128xf32, #tpu.memory_space<hbm>>
    tpu.wait_indirect_dma semaphore(%arg11 : memref<!tpu.dma_semaphore, #tpu.memory_space<semaphore_mem>>) src(%dma_wait3A_170 : memref<26000x128xf32, #tpu.memory_space<hbm>>) dst(%arg9 : memref<128x128xf32, #tpu.memory_space<vmem>>)
    %add3A_171 = arith.constant 1152 : i32
    %add3A_172 = arith.addi %mul3A_2, %add3A_171 : i32
    "tpu.region"() ({
      %run_scoped3A = tpu.sem_alloc : memref<!tpu.dma_semaphore, #tpu.memory_space<semaphore_mem>>
      %dma_start3A_422 = arith.constant 0 : i32
      %dma_start3A_423 = tpu.memref_slice %arg5[%add3A_172, %dma_start3A_422] : memref<106496x128xf32, #tpu.memory_space<hbm>> -> memref<128x128xf32, #tpu.memory_space<hbm>>
      %dma_start3A_424 = arith.constant 0 : i32
      %dma_start3A_425 = tpu.memref_slice %arg5[%add3A_172, %dma_start3A_424] : memref<106496x128xf32, #tpu.memory_space<hbm>> -> memref<128x128xf32, #tpu.memory_space<hbm>>
      tpu.enqueue_dma source(%arg9 : memref<128x128xf32, #tpu.memory_space<vmem>>) target(%dma_start3A_425 : memref<128x128xf32, #tpu.memory_space<hbm>>) target_semaphore(%run_scoped3A : memref<!tpu.dma_semaphore, #tpu.memory_space<semaphore_mem>>)
      %dma_wait3A_426 = arith.constant 0 : i32
      %dma_wait3A_427 = tpu.memref_slice %arg5[%add3A_172, %dma_wait3A_426] : memref<106496x128xf32, #tpu.memory_space<hbm>> -> memref<128x128xf32, #tpu.memory_space<hbm>>
      %dma_wait3A_428 = arith.constant 0 : i32
      %dma_wait3A_429 = tpu.memref_slice %arg5[%add3A_172, %dma_wait3A_428] : memref<106496x128xf32, #tpu.memory_space<hbm>> -> memref<128x128xf32, #tpu.memory_space<hbm>>
      tpu.wait_dma2 semaphore(%run_scoped3A : memref<!tpu.dma_semaphore, #tpu.memory_space<semaphore_mem>>) src(%arg9 : memref<128x128xf32, #tpu.memory_space<vmem>>) dst(%dma_wait3A_429 : memref<128x128xf32, #tpu.memory_space<hbm>>)
      tpu.yield
    }) : () -> ()
    %dma_start3A_173 = arith.constant 11 : i32
    %dma_start3A_174 = arith.constant 0 : i32
    %dma_start3A_175 = tpu.memref_slice %arg6[%dma_start3A_173, %dma_start3A_174] : memref<26x128xi32, #tpu.memory_space<vmem>> -> memref<1x128xi32, #tpu.memory_space<vmem>>
    %dma_start3A_176 = tpu.memref_squeeze %dma_start3A_175 : memref<1x128xi32, #tpu.memory_space<vmem>> -> memref<128xi32, #tpu.memory_space<vmem>>
    %dma_start3A_177 = arith.constant 0 : i32
    %dma_start3A_178 = arith.constant 0 : i32
    %dma_start3A_179 = tpu.memref_slice %arg4[%dma_start3A_177, %dma_start3A_178] : memref<26000x128xf32, #tpu.memory_space<hbm>> -> memref<26000x128xf32, #tpu.memory_space<hbm>>
    tpu.enqueue_indirect_dma source(%dma_start3A_179 : memref<26000x128xf32, #tpu.memory_space<hbm>>) target(%arg9 : memref<128x128xf32, #tpu.memory_space<vmem>>) offsets(%dma_start3A_176 : memref<128xi32, #tpu.memory_space<vmem>>) semaphore(%arg11 : memref<!tpu.dma_semaphore, #tpu.memory_space<semaphore_mem>>)
    %dma_wait3A_180 = arith.constant 10 : i32
    %dma_wait3A_181 = arith.constant 0 : i32
    %dma_wait3A_182 = tpu.memref_slice %arg6[%dma_wait3A_180, %dma_wait3A_181] : memref<26x128xi32, #tpu.memory_space<vmem>> -> memref<1x128xi32, #tpu.memory_space<vmem>>
    %dma_wait3A_183 = tpu.memref_squeeze %dma_wait3A_182 : memref<1x128xi32, #tpu.memory_space<vmem>> -> memref<128xi32, #tpu.memory_space<vmem>>
    %dma_wait3A_184 = arith.constant 0 : i32
    %dma_wait3A_185 = arith.constant 0 : i32
    %dma_wait3A_186 = tpu.memref_slice %arg4[%dma_wait3A_184, %dma_wait3A_185] : memref<26000x128xf32, #tpu.memory_space<hbm>> -> memref<26000x128xf32, #tpu.memory_space<hbm>>
    tpu.wait_indirect_dma semaphore(%arg10 : memref<!tpu.dma_semaphore, #tpu.memory_space<semaphore_mem>>) src(%dma_wait3A_186 : memref<26000x128xf32, #tpu.memory_space<hbm>>) dst(%arg8 : memref<128x128xf32, #tpu.memory_space<vmem>>)
    %add3A_187 = arith.constant 1280 : i32
    %add3A_188 = arith.addi %mul3A_2, %add3A_187 : i32
    "tpu.region"() ({
      %run_scoped3A = tpu.sem_alloc : memref<!tpu.dma_semaphore, #tpu.memory_space<semaphore_mem>>
      %dma_start3A_422 = arith.constant 0 : i32
      %dma_start3A_423 = tpu.memref_slice %arg5[%add3A_188, %dma_start3A_422] : memref<106496x128xf32, #tpu.memory_space<hbm>> -> memref<128x128xf32, #tpu.memory_space<hbm>>
      %dma_start3A_424 = arith.constant 0 : i32
      %dma_start3A_425 = tpu.memref_slice %arg5[%add3A_188, %dma_start3A_424] : memref<106496x128xf32, #tpu.memory_space<hbm>> -> memref<128x128xf32, #tpu.memory_space<hbm>>
      tpu.enqueue_dma source(%arg8 : memref<128x128xf32, #tpu.memory_space<vmem>>) target(%dma_start3A_425 : memref<128x128xf32, #tpu.memory_space<hbm>>) target_semaphore(%run_scoped3A : memref<!tpu.dma_semaphore, #tpu.memory_space<semaphore_mem>>)
      %dma_wait3A_426 = arith.constant 0 : i32
      %dma_wait3A_427 = tpu.memref_slice %arg5[%add3A_188, %dma_wait3A_426] : memref<106496x128xf32, #tpu.memory_space<hbm>> -> memref<128x128xf32, #tpu.memory_space<hbm>>
      %dma_wait3A_428 = arith.constant 0 : i32
      %dma_wait3A_429 = tpu.memref_slice %arg5[%add3A_188, %dma_wait3A_428] : memref<106496x128xf32, #tpu.memory_space<hbm>> -> memref<128x128xf32, #tpu.memory_space<hbm>>
      tpu.wait_dma2 semaphore(%run_scoped3A : memref<!tpu.dma_semaphore, #tpu.memory_space<semaphore_mem>>) src(%arg8 : memref<128x128xf32, #tpu.memory_space<vmem>>) dst(%dma_wait3A_429 : memref<128x128xf32, #tpu.memory_space<hbm>>)
      tpu.yield
    }) : () -> ()
    %dma_start3A_189 = arith.constant 12 : i32
    %dma_start3A_190 = arith.constant 0 : i32
    %dma_start3A_191 = tpu.memref_slice %arg6[%dma_start3A_189, %dma_start3A_190] : memref<26x128xi32, #tpu.memory_space<vmem>> -> memref<1x128xi32, #tpu.memory_space<vmem>>
    %dma_start3A_192 = tpu.memref_squeeze %dma_start3A_191 : memref<1x128xi32, #tpu.memory_space<vmem>> -> memref<128xi32, #tpu.memory_space<vmem>>
    %dma_start3A_193 = arith.constant 0 : i32
    %dma_start3A_194 = arith.constant 0 : i32
    %dma_start3A_195 = tpu.memref_slice %arg4[%dma_start3A_193, %dma_start3A_194] : memref<26000x128xf32, #tpu.memory_space<hbm>> -> memref<26000x128xf32, #tpu.memory_space<hbm>>
    tpu.enqueue_indirect_dma source(%dma_start3A_195 : memref<26000x128xf32, #tpu.memory_space<hbm>>) target(%arg8 : memref<128x128xf32, #tpu.memory_space<vmem>>) offsets(%dma_start3A_192 : memref<128xi32, #tpu.memory_space<vmem>>) semaphore(%arg10 : memref<!tpu.dma_semaphore, #tpu.memory_space<semaphore_mem>>)
    %dma_wait3A_196 = arith.constant 11 : i32
    %dma_wait3A_197 = arith.constant 0 : i32
    %dma_wait3A_198 = tpu.memref_slice %arg6[%dma_wait3A_196, %dma_wait3A_197] : memref<26x128xi32, #tpu.memory_space<vmem>> -> memref<1x128xi32, #tpu.memory_space<vmem>>
    %dma_wait3A_199 = tpu.memref_squeeze %dma_wait3A_198 : memref<1x128xi32, #tpu.memory_space<vmem>> -> memref<128xi32, #tpu.memory_space<vmem>>
    %dma_wait3A_200 = arith.constant 0 : i32
    %dma_wait3A_201 = arith.constant 0 : i32
    %dma_wait3A_202 = tpu.memref_slice %arg4[%dma_wait3A_200, %dma_wait3A_201] : memref<26000x128xf32, #tpu.memory_space<hbm>> -> memref<26000x128xf32, #tpu.memory_space<hbm>>
    tpu.wait_indirect_dma semaphore(%arg11 : memref<!tpu.dma_semaphore, #tpu.memory_space<semaphore_mem>>) src(%dma_wait3A_202 : memref<26000x128xf32, #tpu.memory_space<hbm>>) dst(%arg9 : memref<128x128xf32, #tpu.memory_space<vmem>>)
    %add3A_203 = arith.constant 1408 : i32
    %add3A_204 = arith.addi %mul3A_2, %add3A_203 : i32
    "tpu.region"() ({
      %run_scoped3A = tpu.sem_alloc : memref<!tpu.dma_semaphore, #tpu.memory_space<semaphore_mem>>
      %dma_start3A_422 = arith.constant 0 : i32
      %dma_start3A_423 = tpu.memref_slice %arg5[%add3A_204, %dma_start3A_422] : memref<106496x128xf32, #tpu.memory_space<hbm>> -> memref<128x128xf32, #tpu.memory_space<hbm>>
      %dma_start3A_424 = arith.constant 0 : i32
      %dma_start3A_425 = tpu.memref_slice %arg5[%add3A_204, %dma_start3A_424] : memref<106496x128xf32, #tpu.memory_space<hbm>> -> memref<128x128xf32, #tpu.memory_space<hbm>>
      tpu.enqueue_dma source(%arg9 : memref<128x128xf32, #tpu.memory_space<vmem>>) target(%dma_start3A_425 : memref<128x128xf32, #tpu.memory_space<hbm>>) target_semaphore(%run_scoped3A : memref<!tpu.dma_semaphore, #tpu.memory_space<semaphore_mem>>)
      %dma_wait3A_426 = arith.constant 0 : i32
      %dma_wait3A_427 = tpu.memref_slice %arg5[%add3A_204, %dma_wait3A_426] : memref<106496x128xf32, #tpu.memory_space<hbm>> -> memref<128x128xf32, #tpu.memory_space<hbm>>
      %dma_wait3A_428 = arith.constant 0 : i32
      %dma_wait3A_429 = tpu.memref_slice %arg5[%add3A_204, %dma_wait3A_428] : memref<106496x128xf32, #tpu.memory_space<hbm>> -> memref<128x128xf32, #tpu.memory_space<hbm>>
      tpu.wait_dma2 semaphore(%run_scoped3A : memref<!tpu.dma_semaphore, #tpu.memory_space<semaphore_mem>>) src(%arg9 : memref<128x128xf32, #tpu.memory_space<vmem>>) dst(%dma_wait3A_429 : memref<128x128xf32, #tpu.memory_space<hbm>>)
      tpu.yield
    }) : () -> ()
    %dma_start3A_205 = arith.constant 13 : i32
    %dma_start3A_206 = arith.constant 0 : i32
    %dma_start3A_207 = tpu.memref_slice %arg6[%dma_start3A_205, %dma_start3A_206] : memref<26x128xi32, #tpu.memory_space<vmem>> -> memref<1x128xi32, #tpu.memory_space<vmem>>
    %dma_start3A_208 = tpu.memref_squeeze %dma_start3A_207 : memref<1x128xi32, #tpu.memory_space<vmem>> -> memref<128xi32, #tpu.memory_space<vmem>>
    %dma_start3A_209 = arith.constant 0 : i32
    %dma_start3A_210 = arith.constant 0 : i32
    %dma_start3A_211 = tpu.memref_slice %arg4[%dma_start3A_209, %dma_start3A_210] : memref<26000x128xf32, #tpu.memory_space<hbm>> -> memref<26000x128xf32, #tpu.memory_space<hbm>>
    tpu.enqueue_indirect_dma source(%dma_start3A_211 : memref<26000x128xf32, #tpu.memory_space<hbm>>) target(%arg9 : memref<128x128xf32, #tpu.memory_space<vmem>>) offsets(%dma_start3A_208 : memref<128xi32, #tpu.memory_space<vmem>>) semaphore(%arg11 : memref<!tpu.dma_semaphore, #tpu.memory_space<semaphore_mem>>)
    %dma_wait3A_212 = arith.constant 12 : i32
    %dma_wait3A_213 = arith.constant 0 : i32
    %dma_wait3A_214 = tpu.memref_slice %arg6[%dma_wait3A_212, %dma_wait3A_213] : memref<26x128xi32, #tpu.memory_space<vmem>> -> memref<1x128xi32, #tpu.memory_space<vmem>>
    %dma_wait3A_215 = tpu.memref_squeeze %dma_wait3A_214 : memref<1x128xi32, #tpu.memory_space<vmem>> -> memref<128xi32, #tpu.memory_space<vmem>>
    %dma_wait3A_216 = arith.constant 0 : i32
    %dma_wait3A_217 = arith.constant 0 : i32
    %dma_wait3A_218 = tpu.memref_slice %arg4[%dma_wait3A_216, %dma_wait3A_217] : memref<26000x128xf32, #tpu.memory_space<hbm>> -> memref<26000x128xf32, #tpu.memory_space<hbm>>
    tpu.wait_indirect_dma semaphore(%arg10 : memref<!tpu.dma_semaphore, #tpu.memory_space<semaphore_mem>>) src(%dma_wait3A_218 : memref<26000x128xf32, #tpu.memory_space<hbm>>) dst(%arg8 : memref<128x128xf32, #tpu.memory_space<vmem>>)
    %add3A_219 = arith.constant 1536 : i32
    %add3A_220 = arith.addi %mul3A_2, %add3A_219 : i32
    "tpu.region"() ({
      %run_scoped3A = tpu.sem_alloc : memref<!tpu.dma_semaphore, #tpu.memory_space<semaphore_mem>>
      %dma_start3A_422 = arith.constant 0 : i32
      %dma_start3A_423 = tpu.memref_slice %arg5[%add3A_220, %dma_start3A_422] : memref<106496x128xf32, #tpu.memory_space<hbm>> -> memref<128x128xf32, #tpu.memory_space<hbm>>
      %dma_start3A_424 = arith.constant 0 : i32
      %dma_start3A_425 = tpu.memref_slice %arg5[%add3A_220, %dma_start3A_424] : memref<106496x128xf32, #tpu.memory_space<hbm>> -> memref<128x128xf32, #tpu.memory_space<hbm>>
      tpu.enqueue_dma source(%arg8 : memref<128x128xf32, #tpu.memory_space<vmem>>) target(%dma_start3A_425 : memref<128x128xf32, #tpu.memory_space<hbm>>) target_semaphore(%run_scoped3A : memref<!tpu.dma_semaphore, #tpu.memory_space<semaphore_mem>>)
      %dma_wait3A_426 = arith.constant 0 : i32
      %dma_wait3A_427 = tpu.memref_slice %arg5[%add3A_220, %dma_wait3A_426] : memref<106496x128xf32, #tpu.memory_space<hbm>> -> memref<128x128xf32, #tpu.memory_space<hbm>>
      %dma_wait3A_428 = arith.constant 0 : i32
      %dma_wait3A_429 = tpu.memref_slice %arg5[%add3A_220, %dma_wait3A_428] : memref<106496x128xf32, #tpu.memory_space<hbm>> -> memref<128x128xf32, #tpu.memory_space<hbm>>
      tpu.wait_dma2 semaphore(%run_scoped3A : memref<!tpu.dma_semaphore, #tpu.memory_space<semaphore_mem>>) src(%arg8 : memref<128x128xf32, #tpu.memory_space<vmem>>) dst(%dma_wait3A_429 : memref<128x128xf32, #tpu.memory_space<hbm>>)
      tpu.yield
    }) : () -> ()
    %dma_start3A_221 = arith.constant 14 : i32
    %dma_start3A_222 = arith.constant 0 : i32
    %dma_start3A_223 = tpu.memref_slice %arg6[%dma_start3A_221, %dma_start3A_222] : memref<26x128xi32, #tpu.memory_space<vmem>> -> memref<1x128xi32, #tpu.memory_space<vmem>>
    %dma_start3A_224 = tpu.memref_squeeze %dma_start3A_223 : memref<1x128xi32, #tpu.memory_space<vmem>> -> memref<128xi32, #tpu.memory_space<vmem>>
    %dma_start3A_225 = arith.constant 0 : i32
    %dma_start3A_226 = arith.constant 0 : i32
    %dma_start3A_227 = tpu.memref_slice %arg4[%dma_start3A_225, %dma_start3A_226] : memref<26000x128xf32, #tpu.memory_space<hbm>> -> memref<26000x128xf32, #tpu.memory_space<hbm>>
    tpu.enqueue_indirect_dma source(%dma_start3A_227 : memref<26000x128xf32, #tpu.memory_space<hbm>>) target(%arg8 : memref<128x128xf32, #tpu.memory_space<vmem>>) offsets(%dma_start3A_224 : memref<128xi32, #tpu.memory_space<vmem>>) semaphore(%arg10 : memref<!tpu.dma_semaphore, #tpu.memory_space<semaphore_mem>>)
    %dma_wait3A_228 = arith.constant 13 : i32
    %dma_wait3A_229 = arith.constant 0 : i32
    %dma_wait3A_230 = tpu.memref_slice %arg6[%dma_wait3A_228, %dma_wait3A_229] : memref<26x128xi32, #tpu.memory_space<vmem>> -> memref<1x128xi32, #tpu.memory_space<vmem>>
    %dma_wait3A_231 = tpu.memref_squeeze %dma_wait3A_230 : memref<1x128xi32, #tpu.memory_space<vmem>> -> memref<128xi32, #tpu.memory_space<vmem>>
    %dma_wait3A_232 = arith.constant 0 : i32
    %dma_wait3A_233 = arith.constant 0 : i32
    %dma_wait3A_234 = tpu.memref_slice %arg4[%dma_wait3A_232, %dma_wait3A_233] : memref<26000x128xf32, #tpu.memory_space<hbm>> -> memref<26000x128xf32, #tpu.memory_space<hbm>>
    tpu.wait_indirect_dma semaphore(%arg11 : memref<!tpu.dma_semaphore, #tpu.memory_space<semaphore_mem>>) src(%dma_wait3A_234 : memref<26000x128xf32, #tpu.memory_space<hbm>>) dst(%arg9 : memref<128x128xf32, #tpu.memory_space<vmem>>)
    %add3A_235 = arith.constant 1664 : i32
    %add3A_236 = arith.addi %mul3A_2, %add3A_235 : i32
    "tpu.region"() ({
      %run_scoped3A = tpu.sem_alloc : memref<!tpu.dma_semaphore, #tpu.memory_space<semaphore_mem>>
      %dma_start3A_422 = arith.constant 0 : i32
      %dma_start3A_423 = tpu.memref_slice %arg5[%add3A_236, %dma_start3A_422] : memref<106496x128xf32, #tpu.memory_space<hbm>> -> memref<128x128xf32, #tpu.memory_space<hbm>>
      %dma_start3A_424 = arith.constant 0 : i32
      %dma_start3A_425 = tpu.memref_slice %arg5[%add3A_236, %dma_start3A_424] : memref<106496x128xf32, #tpu.memory_space<hbm>> -> memref<128x128xf32, #tpu.memory_space<hbm>>
      tpu.enqueue_dma source(%arg9 : memref<128x128xf32, #tpu.memory_space<vmem>>) target(%dma_start3A_425 : memref<128x128xf32, #tpu.memory_space<hbm>>) target_semaphore(%run_scoped3A : memref<!tpu.dma_semaphore, #tpu.memory_space<semaphore_mem>>)
      %dma_wait3A_426 = arith.constant 0 : i32
      %dma_wait3A_427 = tpu.memref_slice %arg5[%add3A_236, %dma_wait3A_426] : memref<106496x128xf32, #tpu.memory_space<hbm>> -> memref<128x128xf32, #tpu.memory_space<hbm>>
      %dma_wait3A_428 = arith.constant 0 : i32
      %dma_wait3A_429 = tpu.memref_slice %arg5[%add3A_236, %dma_wait3A_428] : memref<106496x128xf32, #tpu.memory_space<hbm>> -> memref<128x128xf32, #tpu.memory_space<hbm>>
      tpu.wait_dma2 semaphore(%run_scoped3A : memref<!tpu.dma_semaphore, #tpu.memory_space<semaphore_mem>>) src(%arg9 : memref<128x128xf32, #tpu.memory_space<vmem>>) dst(%dma_wait3A_429 : memref<128x128xf32, #tpu.memory_space<hbm>>)
      tpu.yield
    }) : () -> ()
    %dma_start3A_237 = arith.constant 15 : i32
    %dma_start3A_238 = arith.constant 0 : i32
    %dma_start3A_239 = tpu.memref_slice %arg6[%dma_start3A_237, %dma_start3A_238] : memref<26x128xi32, #tpu.memory_space<vmem>> -> memref<1x128xi32, #tpu.memory_space<vmem>>
    %dma_start3A_240 = tpu.memref_squeeze %dma_start3A_239 : memref<1x128xi32, #tpu.memory_space<vmem>> -> memref<128xi32, #tpu.memory_space<vmem>>
    %dma_start3A_241 = arith.constant 0 : i32
    %dma_start3A_242 = arith.constant 0 : i32
    %dma_start3A_243 = tpu.memref_slice %arg4[%dma_start3A_241, %dma_start3A_242] : memref<26000x128xf32, #tpu.memory_space<hbm>> -> memref<26000x128xf32, #tpu.memory_space<hbm>>
    tpu.enqueue_indirect_dma source(%dma_start3A_243 : memref<26000x128xf32, #tpu.memory_space<hbm>>) target(%arg9 : memref<128x128xf32, #tpu.memory_space<vmem>>) offsets(%dma_start3A_240 : memref<128xi32, #tpu.memory_space<vmem>>) semaphore(%arg11 : memref<!tpu.dma_semaphore, #tpu.memory_space<semaphore_mem>>)
    %dma_wait3A_244 = arith.constant 14 : i32
    %dma_wait3A_245 = arith.constant 0 : i32
    %dma_wait3A_246 = tpu.memref_slice %arg6[%dma_wait3A_244, %dma_wait3A_245] : memref<26x128xi32, #tpu.memory_space<vmem>> -> memref<1x128xi32, #tpu.memory_space<vmem>>
    %dma_wait3A_247 = tpu.memref_squeeze %dma_wait3A_246 : memref<1x128xi32, #tpu.memory_space<vmem>> -> memref<128xi32, #tpu.memory_space<vmem>>
    %dma_wait3A_248 = arith.constant 0 : i32
    %dma_wait3A_249 = arith.constant 0 : i32
    %dma_wait3A_250 = tpu.memref_slice %arg4[%dma_wait3A_248, %dma_wait3A_249] : memref<26000x128xf32, #tpu.memory_space<hbm>> -> memref<26000x128xf32, #tpu.memory_space<hbm>>
    tpu.wait_indirect_dma semaphore(%arg10 : memref<!tpu.dma_semaphore, #tpu.memory_space<semaphore_mem>>) src(%dma_wait3A_250 : memref<26000x128xf32, #tpu.memory_space<hbm>>) dst(%arg8 : memref<128x128xf32, #tpu.memory_space<vmem>>)
    %add3A_251 = arith.constant 1792 : i32
    %add3A_252 = arith.addi %mul3A_2, %add3A_251 : i32
    "tpu.region"() ({
      %run_scoped3A = tpu.sem_alloc : memref<!tpu.dma_semaphore, #tpu.memory_space<semaphore_mem>>
      %dma_start3A_422 = arith.constant 0 : i32
      %dma_start3A_423 = tpu.memref_slice %arg5[%add3A_252, %dma_start3A_422] : memref<106496x128xf32, #tpu.memory_space<hbm>> -> memref<128x128xf32, #tpu.memory_space<hbm>>
      %dma_start3A_424 = arith.constant 0 : i32
      %dma_start3A_425 = tpu.memref_slice %arg5[%add3A_252, %dma_start3A_424] : memref<106496x128xf32, #tpu.memory_space<hbm>> -> memref<128x128xf32, #tpu.memory_space<hbm>>
      tpu.enqueue_dma source(%arg8 : memref<128x128xf32, #tpu.memory_space<vmem>>) target(%dma_start3A_425 : memref<128x128xf32, #tpu.memory_space<hbm>>) target_semaphore(%run_scoped3A : memref<!tpu.dma_semaphore, #tpu.memory_space<semaphore_mem>>)
      %dma_wait3A_426 = arith.constant 0 : i32
      %dma_wait3A_427 = tpu.memref_slice %arg5[%add3A_252, %dma_wait3A_426] : memref<106496x128xf32, #tpu.memory_space<hbm>> -> memref<128x128xf32, #tpu.memory_space<hbm>>
      %dma_wait3A_428 = arith.constant 0 : i32
      %dma_wait3A_429 = tpu.memref_slice %arg5[%add3A_252, %dma_wait3A_428] : memref<106496x128xf32, #tpu.memory_space<hbm>> -> memref<128x128xf32, #tpu.memory_space<hbm>>
      tpu.wait_dma2 semaphore(%run_scoped3A : memref<!tpu.dma_semaphore, #tpu.memory_space<semaphore_mem>>) src(%arg8 : memref<128x128xf32, #tpu.memory_space<vmem>>) dst(%dma_wait3A_429 : memref<128x128xf32, #tpu.memory_space<hbm>>)
      tpu.yield
    }) : () -> ()
    %dma_start3A_253 = arith.constant 16 : i32
    %dma_start3A_254 = arith.constant 0 : i32
    %dma_start3A_255 = tpu.memref_slice %arg6[%dma_start3A_253, %dma_start3A_254] : memref<26x128xi32, #tpu.memory_space<vmem>> -> memref<1x128xi32, #tpu.memory_space<vmem>>
    %dma_start3A_256 = tpu.memref_squeeze %dma_start3A_255 : memref<1x128xi32, #tpu.memory_space<vmem>> -> memref<128xi32, #tpu.memory_space<vmem>>
    %dma_start3A_257 = arith.constant 0 : i32
    %dma_start3A_258 = arith.constant 0 : i32
    %dma_start3A_259 = tpu.memref_slice %arg4[%dma_start3A_257, %dma_start3A_258] : memref<26000x128xf32, #tpu.memory_space<hbm>> -> memref<26000x128xf32, #tpu.memory_space<hbm>>
    tpu.enqueue_indirect_dma source(%dma_start3A_259 : memref<26000x128xf32, #tpu.memory_space<hbm>>) target(%arg8 : memref<128x128xf32, #tpu.memory_space<vmem>>) offsets(%dma_start3A_256 : memref<128xi32, #tpu.memory_space<vmem>>) semaphore(%arg10 : memref<!tpu.dma_semaphore, #tpu.memory_space<semaphore_mem>>)
    %dma_wait3A_260 = arith.constant 15 : i32
    %dma_wait3A_261 = arith.constant 0 : i32
    %dma_wait3A_262 = tpu.memref_slice %arg6[%dma_wait3A_260, %dma_wait3A_261] : memref<26x128xi32, #tpu.memory_space<vmem>> -> memref<1x128xi32, #tpu.memory_space<vmem>>
    %dma_wait3A_263 = tpu.memref_squeeze %dma_wait3A_262 : memref<1x128xi32, #tpu.memory_space<vmem>> -> memref<128xi32, #tpu.memory_space<vmem>>
    %dma_wait3A_264 = arith.constant 0 : i32
    %dma_wait3A_265 = arith.constant 0 : i32
    %dma_wait3A_266 = tpu.memref_slice %arg4[%dma_wait3A_264, %dma_wait3A_265] : memref<26000x128xf32, #tpu.memory_space<hbm>> -> memref<26000x128xf32, #tpu.memory_space<hbm>>
    tpu.wait_indirect_dma semaphore(%arg11 : memref<!tpu.dma_semaphore, #tpu.memory_space<semaphore_mem>>) src(%dma_wait3A_266 : memref<26000x128xf32, #tpu.memory_space<hbm>>) dst(%arg9 : memref<128x128xf32, #tpu.memory_space<vmem>>)
    %add3A_267 = arith.constant 1920 : i32
    %add3A_268 = arith.addi %mul3A_2, %add3A_267 : i32
    "tpu.region"() ({
      %run_scoped3A = tpu.sem_alloc : memref<!tpu.dma_semaphore, #tpu.memory_space<semaphore_mem>>
      %dma_start3A_422 = arith.constant 0 : i32
      %dma_start3A_423 = tpu.memref_slice %arg5[%add3A_268, %dma_start3A_422] : memref<106496x128xf32, #tpu.memory_space<hbm>> -> memref<128x128xf32, #tpu.memory_space<hbm>>
      %dma_start3A_424 = arith.constant 0 : i32
      %dma_start3A_425 = tpu.memref_slice %arg5[%add3A_268, %dma_start3A_424] : memref<106496x128xf32, #tpu.memory_space<hbm>> -> memref<128x128xf32, #tpu.memory_space<hbm>>
      tpu.enqueue_dma source(%arg9 : memref<128x128xf32, #tpu.memory_space<vmem>>) target(%dma_start3A_425 : memref<128x128xf32, #tpu.memory_space<hbm>>) target_semaphore(%run_scoped3A : memref<!tpu.dma_semaphore, #tpu.memory_space<semaphore_mem>>)
      %dma_wait3A_426 = arith.constant 0 : i32
      %dma_wait3A_427 = tpu.memref_slice %arg5[%add3A_268, %dma_wait3A_426] : memref<106496x128xf32, #tpu.memory_space<hbm>> -> memref<128x128xf32, #tpu.memory_space<hbm>>
      %dma_wait3A_428 = arith.constant 0 : i32
      %dma_wait3A_429 = tpu.memref_slice %arg5[%add3A_268, %dma_wait3A_428] : memref<106496x128xf32, #tpu.memory_space<hbm>> -> memref<128x128xf32, #tpu.memory_space<hbm>>
      tpu.wait_dma2 semaphore(%run_scoped3A : memref<!tpu.dma_semaphore, #tpu.memory_space<semaphore_mem>>) src(%arg9 : memref<128x128xf32, #tpu.memory_space<vmem>>) dst(%dma_wait3A_429 : memref<128x128xf32, #tpu.memory_space<hbm>>)
      tpu.yield
    }) : () -> ()
    %dma_start3A_269 = arith.constant 17 : i32
    %dma_start3A_270 = arith.constant 0 : i32
    %dma_start3A_271 = tpu.memref_slice %arg6[%dma_start3A_269, %dma_start3A_270] : memref<26x128xi32, #tpu.memory_space<vmem>> -> memref<1x128xi32, #tpu.memory_space<vmem>>
    %dma_start3A_272 = tpu.memref_squeeze %dma_start3A_271 : memref<1x128xi32, #tpu.memory_space<vmem>> -> memref<128xi32, #tpu.memory_space<vmem>>
    %dma_start3A_273 = arith.constant 0 : i32
    %dma_start3A_274 = arith.constant 0 : i32
    %dma_start3A_275 = tpu.memref_slice %arg4[%dma_start3A_273, %dma_start3A_274] : memref<26000x128xf32, #tpu.memory_space<hbm>> -> memref<26000x128xf32, #tpu.memory_space<hbm>>
    tpu.enqueue_indirect_dma source(%dma_start3A_275 : memref<26000x128xf32, #tpu.memory_space<hbm>>) target(%arg9 : memref<128x128xf32, #tpu.memory_space<vmem>>) offsets(%dma_start3A_272 : memref<128xi32, #tpu.memory_space<vmem>>) semaphore(%arg11 : memref<!tpu.dma_semaphore, #tpu.memory_space<semaphore_mem>>)
    %dma_wait3A_276 = arith.constant 16 : i32
    %dma_wait3A_277 = arith.constant 0 : i32
    %dma_wait3A_278 = tpu.memref_slice %arg6[%dma_wait3A_276, %dma_wait3A_277] : memref<26x128xi32, #tpu.memory_space<vmem>> -> memref<1x128xi32, #tpu.memory_space<vmem>>
    %dma_wait3A_279 = tpu.memref_squeeze %dma_wait3A_278 : memref<1x128xi32, #tpu.memory_space<vmem>> -> memref<128xi32, #tpu.memory_space<vmem>>
    %dma_wait3A_280 = arith.constant 0 : i32
    %dma_wait3A_281 = arith.constant 0 : i32
    %dma_wait3A_282 = tpu.memref_slice %arg4[%dma_wait3A_280, %dma_wait3A_281] : memref<26000x128xf32, #tpu.memory_space<hbm>> -> memref<26000x128xf32, #tpu.memory_space<hbm>>
    tpu.wait_indirect_dma semaphore(%arg10 : memref<!tpu.dma_semaphore, #tpu.memory_space<semaphore_mem>>) src(%dma_wait3A_282 : memref<26000x128xf32, #tpu.memory_space<hbm>>) dst(%arg8 : memref<128x128xf32, #tpu.memory_space<vmem>>)
    %add3A_283 = arith.constant 2048 : i32
    %add3A_284 = arith.addi %mul3A_2, %add3A_283 : i32
    "tpu.region"() ({
      %run_scoped3A = tpu.sem_alloc : memref<!tpu.dma_semaphore, #tpu.memory_space<semaphore_mem>>
      %dma_start3A_422 = arith.constant 0 : i32
      %dma_start3A_423 = tpu.memref_slice %arg5[%add3A_284, %dma_start3A_422] : memref<106496x128xf32, #tpu.memory_space<hbm>> -> memref<128x128xf32, #tpu.memory_space<hbm>>
      %dma_start3A_424 = arith.constant 0 : i32
      %dma_start3A_425 = tpu.memref_slice %arg5[%add3A_284, %dma_start3A_424] : memref<106496x128xf32, #tpu.memory_space<hbm>> -> memref<128x128xf32, #tpu.memory_space<hbm>>
      tpu.enqueue_dma source(%arg8 : memref<128x128xf32, #tpu.memory_space<vmem>>) target(%dma_start3A_425 : memref<128x128xf32, #tpu.memory_space<hbm>>) target_semaphore(%run_scoped3A : memref<!tpu.dma_semaphore, #tpu.memory_space<semaphore_mem>>)
      %dma_wait3A_426 = arith.constant 0 : i32
      %dma_wait3A_427 = tpu.memref_slice %arg5[%add3A_284, %dma_wait3A_426] : memref<106496x128xf32, #tpu.memory_space<hbm>> -> memref<128x128xf32, #tpu.memory_space<hbm>>
      %dma_wait3A_428 = arith.constant 0 : i32
      %dma_wait3A_429 = tpu.memref_slice %arg5[%add3A_284, %dma_wait3A_428] : memref<106496x128xf32, #tpu.memory_space<hbm>> -> memref<128x128xf32, #tpu.memory_space<hbm>>
      tpu.wait_dma2 semaphore(%run_scoped3A : memref<!tpu.dma_semaphore, #tpu.memory_space<semaphore_mem>>) src(%arg8 : memref<128x128xf32, #tpu.memory_space<vmem>>) dst(%dma_wait3A_429 : memref<128x128xf32, #tpu.memory_space<hbm>>)
      tpu.yield
    }) : () -> ()
    %dma_start3A_285 = arith.constant 18 : i32
    %dma_start3A_286 = arith.constant 0 : i32
    %dma_start3A_287 = tpu.memref_slice %arg6[%dma_start3A_285, %dma_start3A_286] : memref<26x128xi32, #tpu.memory_space<vmem>> -> memref<1x128xi32, #tpu.memory_space<vmem>>
    %dma_start3A_288 = tpu.memref_squeeze %dma_start3A_287 : memref<1x128xi32, #tpu.memory_space<vmem>> -> memref<128xi32, #tpu.memory_space<vmem>>
    %dma_start3A_289 = arith.constant 0 : i32
    %dma_start3A_290 = arith.constant 0 : i32
    %dma_start3A_291 = tpu.memref_slice %arg4[%dma_start3A_289, %dma_start3A_290] : memref<26000x128xf32, #tpu.memory_space<hbm>> -> memref<26000x128xf32, #tpu.memory_space<hbm>>
    tpu.enqueue_indirect_dma source(%dma_start3A_291 : memref<26000x128xf32, #tpu.memory_space<hbm>>) target(%arg8 : memref<128x128xf32, #tpu.memory_space<vmem>>) offsets(%dma_start3A_288 : memref<128xi32, #tpu.memory_space<vmem>>) semaphore(%arg10 : memref<!tpu.dma_semaphore, #tpu.memory_space<semaphore_mem>>)
    %dma_wait3A_292 = arith.constant 17 : i32
    %dma_wait3A_293 = arith.constant 0 : i32
    %dma_wait3A_294 = tpu.memref_slice %arg6[%dma_wait3A_292, %dma_wait3A_293] : memref<26x128xi32, #tpu.memory_space<vmem>> -> memref<1x128xi32, #tpu.memory_space<vmem>>
    %dma_wait3A_295 = tpu.memref_squeeze %dma_wait3A_294 : memref<1x128xi32, #tpu.memory_space<vmem>> -> memref<128xi32, #tpu.memory_space<vmem>>
    %dma_wait3A_296 = arith.constant 0 : i32
    %dma_wait3A_297 = arith.constant 0 : i32
    %dma_wait3A_298 = tpu.memref_slice %arg4[%dma_wait3A_296, %dma_wait3A_297] : memref<26000x128xf32, #tpu.memory_space<hbm>> -> memref<26000x128xf32, #tpu.memory_space<hbm>>
    tpu.wait_indirect_dma semaphore(%arg11 : memref<!tpu.dma_semaphore, #tpu.memory_space<semaphore_mem>>) src(%dma_wait3A_298 : memref<26000x128xf32, #tpu.memory_space<hbm>>) dst(%arg9 : memref<128x128xf32, #tpu.memory_space<vmem>>)
    %add3A_299 = arith.constant 2176 : i32
    %add3A_300 = arith.addi %mul3A_2, %add3A_299 : i32
    "tpu.region"() ({
      %run_scoped3A = tpu.sem_alloc : memref<!tpu.dma_semaphore, #tpu.memory_space<semaphore_mem>>
      %dma_start3A_422 = arith.constant 0 : i32
      %dma_start3A_423 = tpu.memref_slice %arg5[%add3A_300, %dma_start3A_422] : memref<106496x128xf32, #tpu.memory_space<hbm>> -> memref<128x128xf32, #tpu.memory_space<hbm>>
      %dma_start3A_424 = arith.constant 0 : i32
      %dma_start3A_425 = tpu.memref_slice %arg5[%add3A_300, %dma_start3A_424] : memref<106496x128xf32, #tpu.memory_space<hbm>> -> memref<128x128xf32, #tpu.memory_space<hbm>>
      tpu.enqueue_dma source(%arg9 : memref<128x128xf32, #tpu.memory_space<vmem>>) target(%dma_start3A_425 : memref<128x128xf32, #tpu.memory_space<hbm>>) target_semaphore(%run_scoped3A : memref<!tpu.dma_semaphore, #tpu.memory_space<semaphore_mem>>)
      %dma_wait3A_426 = arith.constant 0 : i32
      %dma_wait3A_427 = tpu.memref_slice %arg5[%add3A_300, %dma_wait3A_426] : memref<106496x128xf32, #tpu.memory_space<hbm>> -> memref<128x128xf32, #tpu.memory_space<hbm>>
      %dma_wait3A_428 = arith.constant 0 : i32
      %dma_wait3A_429 = tpu.memref_slice %arg5[%add3A_300, %dma_wait3A_428] : memref<106496x128xf32, #tpu.memory_space<hbm>> -> memref<128x128xf32, #tpu.memory_space<hbm>>
      tpu.wait_dma2 semaphore(%run_scoped3A : memref<!tpu.dma_semaphore, #tpu.memory_space<semaphore_mem>>) src(%arg9 : memref<128x128xf32, #tpu.memory_space<vmem>>) dst(%dma_wait3A_429 : memref<128x128xf32, #tpu.memory_space<hbm>>)
      tpu.yield
    }) : () -> ()
    %dma_start3A_301 = arith.constant 19 : i32
    %dma_start3A_302 = arith.constant 0 : i32
    %dma_start3A_303 = tpu.memref_slice %arg6[%dma_start3A_301, %dma_start3A_302] : memref<26x128xi32, #tpu.memory_space<vmem>> -> memref<1x128xi32, #tpu.memory_space<vmem>>
    %dma_start3A_304 = tpu.memref_squeeze %dma_start3A_303 : memref<1x128xi32, #tpu.memory_space<vmem>> -> memref<128xi32, #tpu.memory_space<vmem>>
    %dma_start3A_305 = arith.constant 0 : i32
    %dma_start3A_306 = arith.constant 0 : i32
    %dma_start3A_307 = tpu.memref_slice %arg4[%dma_start3A_305, %dma_start3A_306] : memref<26000x128xf32, #tpu.memory_space<hbm>> -> memref<26000x128xf32, #tpu.memory_space<hbm>>
    tpu.enqueue_indirect_dma source(%dma_start3A_307 : memref<26000x128xf32, #tpu.memory_space<hbm>>) target(%arg9 : memref<128x128xf32, #tpu.memory_space<vmem>>) offsets(%dma_start3A_304 : memref<128xi32, #tpu.memory_space<vmem>>) semaphore(%arg11 : memref<!tpu.dma_semaphore, #tpu.memory_space<semaphore_mem>>)
    %dma_wait3A_308 = arith.constant 18 : i32
    %dma_wait3A_309 = arith.constant 0 : i32
    %dma_wait3A_310 = tpu.memref_slice %arg6[%dma_wait3A_308, %dma_wait3A_309] : memref<26x128xi32, #tpu.memory_space<vmem>> -> memref<1x128xi32, #tpu.memory_space<vmem>>
    %dma_wait3A_311 = tpu.memref_squeeze %dma_wait3A_310 : memref<1x128xi32, #tpu.memory_space<vmem>> -> memref<128xi32, #tpu.memory_space<vmem>>
    %dma_wait3A_312 = arith.constant 0 : i32
    %dma_wait3A_313 = arith.constant 0 : i32
    %dma_wait3A_314 = tpu.memref_slice %arg4[%dma_wait3A_312, %dma_wait3A_313] : memref<26000x128xf32, #tpu.memory_space<hbm>> -> memref<26000x128xf32, #tpu.memory_space<hbm>>
    tpu.wait_indirect_dma semaphore(%arg10 : memref<!tpu.dma_semaphore, #tpu.memory_space<semaphore_mem>>) src(%dma_wait3A_314 : memref<26000x128xf32, #tpu.memory_space<hbm>>) dst(%arg8 : memref<128x128xf32, #tpu.memory_space<vmem>>)
    %add3A_315 = arith.constant 2304 : i32
    %add3A_316 = arith.addi %mul3A_2, %add3A_315 : i32
    "tpu.region"() ({
      %run_scoped3A = tpu.sem_alloc : memref<!tpu.dma_semaphore, #tpu.memory_space<semaphore_mem>>
      %dma_start3A_422 = arith.constant 0 : i32
      %dma_start3A_423 = tpu.memref_slice %arg5[%add3A_316, %dma_start3A_422] : memref<106496x128xf32, #tpu.memory_space<hbm>> -> memref<128x128xf32, #tpu.memory_space<hbm>>
      %dma_start3A_424 = arith.constant 0 : i32
      %dma_start3A_425 = tpu.memref_slice %arg5[%add3A_316, %dma_start3A_424] : memref<106496x128xf32, #tpu.memory_space<hbm>> -> memref<128x128xf32, #tpu.memory_space<hbm>>
      tpu.enqueue_dma source(%arg8 : memref<128x128xf32, #tpu.memory_space<vmem>>) target(%dma_start3A_425 : memref<128x128xf32, #tpu.memory_space<hbm>>) target_semaphore(%run_scoped3A : memref<!tpu.dma_semaphore, #tpu.memory_space<semaphore_mem>>)
      %dma_wait3A_426 = arith.constant 0 : i32
      %dma_wait3A_427 = tpu.memref_slice %arg5[%add3A_316, %dma_wait3A_426] : memref<106496x128xf32, #tpu.memory_space<hbm>> -> memref<128x128xf32, #tpu.memory_space<hbm>>
      %dma_wait3A_428 = arith.constant 0 : i32
      %dma_wait3A_429 = tpu.memref_slice %arg5[%add3A_316, %dma_wait3A_428] : memref<106496x128xf32, #tpu.memory_space<hbm>> -> memref<128x128xf32, #tpu.memory_space<hbm>>
      tpu.wait_dma2 semaphore(%run_scoped3A : memref<!tpu.dma_semaphore, #tpu.memory_space<semaphore_mem>>) src(%arg8 : memref<128x128xf32, #tpu.memory_space<vmem>>) dst(%dma_wait3A_429 : memref<128x128xf32, #tpu.memory_space<hbm>>)
      tpu.yield
    }) : () -> ()
    %dma_start3A_317 = arith.constant 20 : i32
    %dma_start3A_318 = arith.constant 0 : i32
    %dma_start3A_319 = tpu.memref_slice %arg6[%dma_start3A_317, %dma_start3A_318] : memref<26x128xi32, #tpu.memory_space<vmem>> -> memref<1x128xi32, #tpu.memory_space<vmem>>
    %dma_start3A_320 = tpu.memref_squeeze %dma_start3A_319 : memref<1x128xi32, #tpu.memory_space<vmem>> -> memref<128xi32, #tpu.memory_space<vmem>>
    %dma_start3A_321 = arith.constant 0 : i32
    %dma_start3A_322 = arith.constant 0 : i32
    %dma_start3A_323 = tpu.memref_slice %arg4[%dma_start3A_321, %dma_start3A_322] : memref<26000x128xf32, #tpu.memory_space<hbm>> -> memref<26000x128xf32, #tpu.memory_space<hbm>>
    tpu.enqueue_indirect_dma source(%dma_start3A_323 : memref<26000x128xf32, #tpu.memory_space<hbm>>) target(%arg8 : memref<128x128xf32, #tpu.memory_space<vmem>>) offsets(%dma_start3A_320 : memref<128xi32, #tpu.memory_space<vmem>>) semaphore(%arg10 : memref<!tpu.dma_semaphore, #tpu.memory_space<semaphore_mem>>)
    %dma_wait3A_324 = arith.constant 19 : i32
    %dma_wait3A_325 = arith.constant 0 : i32
    %dma_wait3A_326 = tpu.memref_slice %arg6[%dma_wait3A_324, %dma_wait3A_325] : memref<26x128xi32, #tpu.memory_space<vmem>> -> memref<1x128xi32, #tpu.memory_space<vmem>>
    %dma_wait3A_327 = tpu.memref_squeeze %dma_wait3A_326 : memref<1x128xi32, #tpu.memory_space<vmem>> -> memref<128xi32, #tpu.memory_space<vmem>>
    %dma_wait3A_328 = arith.constant 0 : i32
    %dma_wait3A_329 = arith.constant 0 : i32
    %dma_wait3A_330 = tpu.memref_slice %arg4[%dma_wait3A_328, %dma_wait3A_329] : memref<26000x128xf32, #tpu.memory_space<hbm>> -> memref<26000x128xf32, #tpu.memory_space<hbm>>
    tpu.wait_indirect_dma semaphore(%arg11 : memref<!tpu.dma_semaphore, #tpu.memory_space<semaphore_mem>>) src(%dma_wait3A_330 : memref<26000x128xf32, #tpu.memory_space<hbm>>) dst(%arg9 : memref<128x128xf32, #tpu.memory_space<vmem>>)
    %add3A_331 = arith.constant 2432 : i32
    %add3A_332 = arith.addi %mul3A_2, %add3A_331 : i32
    "tpu.region"() ({
      %run_scoped3A = tpu.sem_alloc : memref<!tpu.dma_semaphore, #tpu.memory_space<semaphore_mem>>
      %dma_start3A_422 = arith.constant 0 : i32
      %dma_start3A_423 = tpu.memref_slice %arg5[%add3A_332, %dma_start3A_422] : memref<106496x128xf32, #tpu.memory_space<hbm>> -> memref<128x128xf32, #tpu.memory_space<hbm>>
      %dma_start3A_424 = arith.constant 0 : i32
      %dma_start3A_425 = tpu.memref_slice %arg5[%add3A_332, %dma_start3A_424] : memref<106496x128xf32, #tpu.memory_space<hbm>> -> memref<128x128xf32, #tpu.memory_space<hbm>>
      tpu.enqueue_dma source(%arg9 : memref<128x128xf32, #tpu.memory_space<vmem>>) target(%dma_start3A_425 : memref<128x128xf32, #tpu.memory_space<hbm>>) target_semaphore(%run_scoped3A : memref<!tpu.dma_semaphore, #tpu.memory_space<semaphore_mem>>)
      %dma_wait3A_426 = arith.constant 0 : i32
      %dma_wait3A_427 = tpu.memref_slice %arg5[%add3A_332, %dma_wait3A_426] : memref<106496x128xf32, #tpu.memory_space<hbm>> -> memref<128x128xf32, #tpu.memory_space<hbm>>
      %dma_wait3A_428 = arith.constant 0 : i32
      %dma_wait3A_429 = tpu.memref_slice %arg5[%add3A_332, %dma_wait3A_428] : memref<106496x128xf32, #tpu.memory_space<hbm>> -> memref<128x128xf32, #tpu.memory_space<hbm>>
      tpu.wait_dma2 semaphore(%run_scoped3A : memref<!tpu.dma_semaphore, #tpu.memory_space<semaphore_mem>>) src(%arg9 : memref<128x128xf32, #tpu.memory_space<vmem>>) dst(%dma_wait3A_429 : memref<128x128xf32, #tpu.memory_space<hbm>>)
      tpu.yield
    }) : () -> ()
    %dma_start3A_333 = arith.constant 21 : i32
    %dma_start3A_334 = arith.constant 0 : i32
    %dma_start3A_335 = tpu.memref_slice %arg6[%dma_start3A_333, %dma_start3A_334] : memref<26x128xi32, #tpu.memory_space<vmem>> -> memref<1x128xi32, #tpu.memory_space<vmem>>
    %dma_start3A_336 = tpu.memref_squeeze %dma_start3A_335 : memref<1x128xi32, #tpu.memory_space<vmem>> -> memref<128xi32, #tpu.memory_space<vmem>>
    %dma_start3A_337 = arith.constant 0 : i32
    %dma_start3A_338 = arith.constant 0 : i32
    %dma_start3A_339 = tpu.memref_slice %arg4[%dma_start3A_337, %dma_start3A_338] : memref<26000x128xf32, #tpu.memory_space<hbm>> -> memref<26000x128xf32, #tpu.memory_space<hbm>>
    tpu.enqueue_indirect_dma source(%dma_start3A_339 : memref<26000x128xf32, #tpu.memory_space<hbm>>) target(%arg9 : memref<128x128xf32, #tpu.memory_space<vmem>>) offsets(%dma_start3A_336 : memref<128xi32, #tpu.memory_space<vmem>>) semaphore(%arg11 : memref<!tpu.dma_semaphore, #tpu.memory_space<semaphore_mem>>)
    %dma_wait3A_340 = arith.constant 20 : i32
    %dma_wait3A_341 = arith.constant 0 : i32
    %dma_wait3A_342 = tpu.memref_slice %arg6[%dma_wait3A_340, %dma_wait3A_341] : memref<26x128xi32, #tpu.memory_space<vmem>> -> memref<1x128xi32, #tpu.memory_space<vmem>>
    %dma_wait3A_343 = tpu.memref_squeeze %dma_wait3A_342 : memref<1x128xi32, #tpu.memory_space<vmem>> -> memref<128xi32, #tpu.memory_space<vmem>>
    %dma_wait3A_344 = arith.constant 0 : i32
    %dma_wait3A_345 = arith.constant 0 : i32
    %dma_wait3A_346 = tpu.memref_slice %arg4[%dma_wait3A_344, %dma_wait3A_345] : memref<26000x128xf32, #tpu.memory_space<hbm>> -> memref<26000x128xf32, #tpu.memory_space<hbm>>
    tpu.wait_indirect_dma semaphore(%arg10 : memref<!tpu.dma_semaphore, #tpu.memory_space<semaphore_mem>>) src(%dma_wait3A_346 : memref<26000x128xf32, #tpu.memory_space<hbm>>) dst(%arg8 : memref<128x128xf32, #tpu.memory_space<vmem>>)
    %add3A_347 = arith.constant 2560 : i32
    %add3A_348 = arith.addi %mul3A_2, %add3A_347 : i32
    "tpu.region"() ({
      %run_scoped3A = tpu.sem_alloc : memref<!tpu.dma_semaphore, #tpu.memory_space<semaphore_mem>>
      %dma_start3A_422 = arith.constant 0 : i32
      %dma_start3A_423 = tpu.memref_slice %arg5[%add3A_348, %dma_start3A_422] : memref<106496x128xf32, #tpu.memory_space<hbm>> -> memref<128x128xf32, #tpu.memory_space<hbm>>
      %dma_start3A_424 = arith.constant 0 : i32
      %dma_start3A_425 = tpu.memref_slice %arg5[%add3A_348, %dma_start3A_424] : memref<106496x128xf32, #tpu.memory_space<hbm>> -> memref<128x128xf32, #tpu.memory_space<hbm>>
      tpu.enqueue_dma source(%arg8 : memref<128x128xf32, #tpu.memory_space<vmem>>) target(%dma_start3A_425 : memref<128x128xf32, #tpu.memory_space<hbm>>) target_semaphore(%run_scoped3A : memref<!tpu.dma_semaphore, #tpu.memory_space<semaphore_mem>>)
      %dma_wait3A_426 = arith.constant 0 : i32
      %dma_wait3A_427 = tpu.memref_slice %arg5[%add3A_348, %dma_wait3A_426] : memref<106496x128xf32, #tpu.memory_space<hbm>> -> memref<128x128xf32, #tpu.memory_space<hbm>>
      %dma_wait3A_428 = arith.constant 0 : i32
      %dma_wait3A_429 = tpu.memref_slice %arg5[%add3A_348, %dma_wait3A_428] : memref<106496x128xf32, #tpu.memory_space<hbm>> -> memref<128x128xf32, #tpu.memory_space<hbm>>
      tpu.wait_dma2 semaphore(%run_scoped3A : memref<!tpu.dma_semaphore, #tpu.memory_space<semaphore_mem>>) src(%arg8 : memref<128x128xf32, #tpu.memory_space<vmem>>) dst(%dma_wait3A_429 : memref<128x128xf32, #tpu.memory_space<hbm>>)
      tpu.yield
    }) : () -> ()
    %dma_start3A_349 = arith.constant 22 : i32
    %dma_start3A_350 = arith.constant 0 : i32
    %dma_start3A_351 = tpu.memref_slice %arg6[%dma_start3A_349, %dma_start3A_350] : memref<26x128xi32, #tpu.memory_space<vmem>> -> memref<1x128xi32, #tpu.memory_space<vmem>>
    %dma_start3A_352 = tpu.memref_squeeze %dma_start3A_351 : memref<1x128xi32, #tpu.memory_space<vmem>> -> memref<128xi32, #tpu.memory_space<vmem>>
    %dma_start3A_353 = arith.constant 0 : i32
    %dma_start3A_354 = arith.constant 0 : i32
    %dma_start3A_355 = tpu.memref_slice %arg4[%dma_start3A_353, %dma_start3A_354] : memref<26000x128xf32, #tpu.memory_space<hbm>> -> memref<26000x128xf32, #tpu.memory_space<hbm>>
    tpu.enqueue_indirect_dma source(%dma_start3A_355 : memref<26000x128xf32, #tpu.memory_space<hbm>>) target(%arg8 : memref<128x128xf32, #tpu.memory_space<vmem>>) offsets(%dma_start3A_352 : memref<128xi32, #tpu.memory_space<vmem>>) semaphore(%arg10 : memref<!tpu.dma_semaphore, #tpu.memory_space<semaphore_mem>>)
    %dma_wait3A_356 = arith.constant 21 : i32
    %dma_wait3A_357 = arith.constant 0 : i32
    %dma_wait3A_358 = tpu.memref_slice %arg6[%dma_wait3A_356, %dma_wait3A_357] : memref<26x128xi32, #tpu.memory_space<vmem>> -> memref<1x128xi32, #tpu.memory_space<vmem>>
    %dma_wait3A_359 = tpu.memref_squeeze %dma_wait3A_358 : memref<1x128xi32, #tpu.memory_space<vmem>> -> memref<128xi32, #tpu.memory_space<vmem>>
    %dma_wait3A_360 = arith.constant 0 : i32
    %dma_wait3A_361 = arith.constant 0 : i32
    %dma_wait3A_362 = tpu.memref_slice %arg4[%dma_wait3A_360, %dma_wait3A_361] : memref<26000x128xf32, #tpu.memory_space<hbm>> -> memref<26000x128xf32, #tpu.memory_space<hbm>>
    tpu.wait_indirect_dma semaphore(%arg11 : memref<!tpu.dma_semaphore, #tpu.memory_space<semaphore_mem>>) src(%dma_wait3A_362 : memref<26000x128xf32, #tpu.memory_space<hbm>>) dst(%arg9 : memref<128x128xf32, #tpu.memory_space<vmem>>)
    %add3A_363 = arith.constant 2688 : i32
    %add3A_364 = arith.addi %mul3A_2, %add3A_363 : i32
    "tpu.region"() ({
      %run_scoped3A = tpu.sem_alloc : memref<!tpu.dma_semaphore, #tpu.memory_space<semaphore_mem>>
      %dma_start3A_422 = arith.constant 0 : i32
      %dma_start3A_423 = tpu.memref_slice %arg5[%add3A_364, %dma_start3A_422] : memref<106496x128xf32, #tpu.memory_space<hbm>> -> memref<128x128xf32, #tpu.memory_space<hbm>>
      %dma_start3A_424 = arith.constant 0 : i32
      %dma_start3A_425 = tpu.memref_slice %arg5[%add3A_364, %dma_start3A_424] : memref<106496x128xf32, #tpu.memory_space<hbm>> -> memref<128x128xf32, #tpu.memory_space<hbm>>
      tpu.enqueue_dma source(%arg9 : memref<128x128xf32, #tpu.memory_space<vmem>>) target(%dma_start3A_425 : memref<128x128xf32, #tpu.memory_space<hbm>>) target_semaphore(%run_scoped3A : memref<!tpu.dma_semaphore, #tpu.memory_space<semaphore_mem>>)
      %dma_wait3A_426 = arith.constant 0 : i32
      %dma_wait3A_427 = tpu.memref_slice %arg5[%add3A_364, %dma_wait3A_426] : memref<106496x128xf32, #tpu.memory_space<hbm>> -> memref<128x128xf32, #tpu.memory_space<hbm>>
      %dma_wait3A_428 = arith.constant 0 : i32
      %dma_wait3A_429 = tpu.memref_slice %arg5[%add3A_364, %dma_wait3A_428] : memref<106496x128xf32, #tpu.memory_space<hbm>> -> memref<128x128xf32, #tpu.memory_space<hbm>>
      tpu.wait_dma2 semaphore(%run_scoped3A : memref<!tpu.dma_semaphore, #tpu.memory_space<semaphore_mem>>) src(%arg9 : memref<128x128xf32, #tpu.memory_space<vmem>>) dst(%dma_wait3A_429 : memref<128x128xf32, #tpu.memory_space<hbm>>)
      tpu.yield
    }) : () -> ()
    %dma_start3A_365 = arith.constant 23 : i32
    %dma_start3A_366 = arith.constant 0 : i32
    %dma_start3A_367 = tpu.memref_slice %arg6[%dma_start3A_365, %dma_start3A_366] : memref<26x128xi32, #tpu.memory_space<vmem>> -> memref<1x128xi32, #tpu.memory_space<vmem>>
    %dma_start3A_368 = tpu.memref_squeeze %dma_start3A_367 : memref<1x128xi32, #tpu.memory_space<vmem>> -> memref<128xi32, #tpu.memory_space<vmem>>
    %dma_start3A_369 = arith.constant 0 : i32
    %dma_start3A_370 = arith.constant 0 : i32
    %dma_start3A_371 = tpu.memref_slice %arg4[%dma_start3A_369, %dma_start3A_370] : memref<26000x128xf32, #tpu.memory_space<hbm>> -> memref<26000x128xf32, #tpu.memory_space<hbm>>
    tpu.enqueue_indirect_dma source(%dma_start3A_371 : memref<26000x128xf32, #tpu.memory_space<hbm>>) target(%arg9 : memref<128x128xf32, #tpu.memory_space<vmem>>) offsets(%dma_start3A_368 : memref<128xi32, #tpu.memory_space<vmem>>) semaphore(%arg11 : memref<!tpu.dma_semaphore, #tpu.memory_space<semaphore_mem>>)
    %dma_wait3A_372 = arith.constant 22 : i32
    %dma_wait3A_373 = arith.constant 0 : i32
    %dma_wait3A_374 = tpu.memref_slice %arg6[%dma_wait3A_372, %dma_wait3A_373] : memref<26x128xi32, #tpu.memory_space<vmem>> -> memref<1x128xi32, #tpu.memory_space<vmem>>
    %dma_wait3A_375 = tpu.memref_squeeze %dma_wait3A_374 : memref<1x128xi32, #tpu.memory_space<vmem>> -> memref<128xi32, #tpu.memory_space<vmem>>
    %dma_wait3A_376 = arith.constant 0 : i32
    %dma_wait3A_377 = arith.constant 0 : i32
    %dma_wait3A_378 = tpu.memref_slice %arg4[%dma_wait3A_376, %dma_wait3A_377] : memref<26000x128xf32, #tpu.memory_space<hbm>> -> memref<26000x128xf32, #tpu.memory_space<hbm>>
    tpu.wait_indirect_dma semaphore(%arg10 : memref<!tpu.dma_semaphore, #tpu.memory_space<semaphore_mem>>) src(%dma_wait3A_378 : memref<26000x128xf32, #tpu.memory_space<hbm>>) dst(%arg8 : memref<128x128xf32, #tpu.memory_space<vmem>>)
    %add3A_379 = arith.constant 2816 : i32
    %add3A_380 = arith.addi %mul3A_2, %add3A_379 : i32
    "tpu.region"() ({
      %run_scoped3A = tpu.sem_alloc : memref<!tpu.dma_semaphore, #tpu.memory_space<semaphore_mem>>
      %dma_start3A_422 = arith.constant 0 : i32
      %dma_start3A_423 = tpu.memref_slice %arg5[%add3A_380, %dma_start3A_422] : memref<106496x128xf32, #tpu.memory_space<hbm>> -> memref<128x128xf32, #tpu.memory_space<hbm>>
      %dma_start3A_424 = arith.constant 0 : i32
      %dma_start3A_425 = tpu.memref_slice %arg5[%add3A_380, %dma_start3A_424] : memref<106496x128xf32, #tpu.memory_space<hbm>> -> memref<128x128xf32, #tpu.memory_space<hbm>>
      tpu.enqueue_dma source(%arg8 : memref<128x128xf32, #tpu.memory_space<vmem>>) target(%dma_start3A_425 : memref<128x128xf32, #tpu.memory_space<hbm>>) target_semaphore(%run_scoped3A : memref<!tpu.dma_semaphore, #tpu.memory_space<semaphore_mem>>)
      %dma_wait3A_426 = arith.constant 0 : i32
      %dma_wait3A_427 = tpu.memref_slice %arg5[%add3A_380, %dma_wait3A_426] : memref<106496x128xf32, #tpu.memory_space<hbm>> -> memref<128x128xf32, #tpu.memory_space<hbm>>
      %dma_wait3A_428 = arith.constant 0 : i32
      %dma_wait3A_429 = tpu.memref_slice %arg5[%add3A_380, %dma_wait3A_428] : memref<106496x128xf32, #tpu.memory_space<hbm>> -> memref<128x128xf32, #tpu.memory_space<hbm>>
      tpu.wait_dma2 semaphore(%run_scoped3A : memref<!tpu.dma_semaphore, #tpu.memory_space<semaphore_mem>>) src(%arg8 : memref<128x128xf32, #tpu.memory_space<vmem>>) dst(%dma_wait3A_429 : memref<128x128xf32, #tpu.memory_space<hbm>>)
      tpu.yield
    }) : () -> ()
    %dma_start3A_381 = arith.constant 24 : i32
    %dma_start3A_382 = arith.constant 0 : i32
    %dma_start3A_383 = tpu.memref_slice %arg6[%dma_start3A_381, %dma_start3A_382] : memref<26x128xi32, #tpu.memory_space<vmem>> -> memref<1x128xi32, #tpu.memory_space<vmem>>
    %dma_start3A_384 = tpu.memref_squeeze %dma_start3A_383 : memref<1x128xi32, #tpu.memory_space<vmem>> -> memref<128xi32, #tpu.memory_space<vmem>>
    %dma_start3A_385 = arith.constant 0 : i32
    %dma_start3A_386 = arith.constant 0 : i32
    %dma_start3A_387 = tpu.memref_slice %arg4[%dma_start3A_385, %dma_start3A_386] : memref<26000x128xf32, #tpu.memory_space<hbm>> -> memref<26000x128xf32, #tpu.memory_space<hbm>>
    tpu.enqueue_indirect_dma source(%dma_start3A_387 : memref<26000x128xf32, #tpu.memory_space<hbm>>) target(%arg8 : memref<128x128xf32, #tpu.memory_space<vmem>>) offsets(%dma_start3A_384 : memref<128xi32, #tpu.memory_space<vmem>>) semaphore(%arg10 : memref<!tpu.dma_semaphore, #tpu.memory_space<semaphore_mem>>)
    %dma_wait3A_388 = arith.constant 23 : i32
    %dma_wait3A_389 = arith.constant 0 : i32
    %dma_wait3A_390 = tpu.memref_slice %arg6[%dma_wait3A_388, %dma_wait3A_389] : memref<26x128xi32, #tpu.memory_space<vmem>> -> memref<1x128xi32, #tpu.memory_space<vmem>>
    %dma_wait3A_391 = tpu.memref_squeeze %dma_wait3A_390 : memref<1x128xi32, #tpu.memory_space<vmem>> -> memref<128xi32, #tpu.memory_space<vmem>>
    %dma_wait3A_392 = arith.constant 0 : i32
    %dma_wait3A_393 = arith.constant 0 : i32
    %dma_wait3A_394 = tpu.memref_slice %arg4[%dma_wait3A_392, %dma_wait3A_393] : memref<26000x128xf32, #tpu.memory_space<hbm>> -> memref<26000x128xf32, #tpu.memory_space<hbm>>
    tpu.wait_indirect_dma semaphore(%arg11 : memref<!tpu.dma_semaphore, #tpu.memory_space<semaphore_mem>>) src(%dma_wait3A_394 : memref<26000x128xf32, #tpu.memory_space<hbm>>) dst(%arg9 : memref<128x128xf32, #tpu.memory_space<vmem>>)
    %add3A_395 = arith.constant 2944 : i32
    %add3A_396 = arith.addi %mul3A_2, %add3A_395 : i32
    "tpu.region"() ({
      %run_scoped3A = tpu.sem_alloc : memref<!tpu.dma_semaphore, #tpu.memory_space<semaphore_mem>>
      %dma_start3A_422 = arith.constant 0 : i32
      %dma_start3A_423 = tpu.memref_slice %arg5[%add3A_396, %dma_start3A_422] : memref<106496x128xf32, #tpu.memory_space<hbm>> -> memref<128x128xf32, #tpu.memory_space<hbm>>
      %dma_start3A_424 = arith.constant 0 : i32
      %dma_start3A_425 = tpu.memref_slice %arg5[%add3A_396, %dma_start3A_424] : memref<106496x128xf32, #tpu.memory_space<hbm>> -> memref<128x128xf32, #tpu.memory_space<hbm>>
      tpu.enqueue_dma source(%arg9 : memref<128x128xf32, #tpu.memory_space<vmem>>) target(%dma_start3A_425 : memref<128x128xf32, #tpu.memory_space<hbm>>) target_semaphore(%run_scoped3A : memref<!tpu.dma_semaphore, #tpu.memory_space<semaphore_mem>>)
      %dma_wait3A_426 = arith.constant 0 : i32
      %dma_wait3A_427 = tpu.memref_slice %arg5[%add3A_396, %dma_wait3A_426] : memref<106496x128xf32, #tpu.memory_space<hbm>> -> memref<128x128xf32, #tpu.memory_space<hbm>>
      %dma_wait3A_428 = arith.constant 0 : i32
      %dma_wait3A_429 = tpu.memref_slice %arg5[%add3A_396, %dma_wait3A_428] : memref<106496x128xf32, #tpu.memory_space<hbm>> -> memref<128x128xf32, #tpu.memory_space<hbm>>
      tpu.wait_dma2 semaphore(%run_scoped3A : memref<!tpu.dma_semaphore, #tpu.memory_space<semaphore_mem>>) src(%arg9 : memref<128x128xf32, #tpu.memory_space<vmem>>) dst(%dma_wait3A_429 : memref<128x128xf32, #tpu.memory_space<hbm>>)
      tpu.yield
    }) : () -> ()
    %dma_start3A_397 = arith.constant 25 : i32
    %dma_start3A_398 = arith.constant 0 : i32
    %dma_start3A_399 = tpu.memref_slice %arg6[%dma_start3A_397, %dma_start3A_398] : memref<26x128xi32, #tpu.memory_space<vmem>> -> memref<1x128xi32, #tpu.memory_space<vmem>>
    %dma_start3A_400 = tpu.memref_squeeze %dma_start3A_399 : memref<1x128xi32, #tpu.memory_space<vmem>> -> memref<128xi32, #tpu.memory_space<vmem>>
    %dma_start3A_401 = arith.constant 0 : i32
    %dma_start3A_402 = arith.constant 0 : i32
    %dma_start3A_403 = tpu.memref_slice %arg4[%dma_start3A_401, %dma_start3A_402] : memref<26000x128xf32, #tpu.memory_space<hbm>> -> memref<26000x128xf32, #tpu.memory_space<hbm>>
    tpu.enqueue_indirect_dma source(%dma_start3A_403 : memref<26000x128xf32, #tpu.memory_space<hbm>>) target(%arg9 : memref<128x128xf32, #tpu.memory_space<vmem>>) offsets(%dma_start3A_400 : memref<128xi32, #tpu.memory_space<vmem>>) semaphore(%arg11 : memref<!tpu.dma_semaphore, #tpu.memory_space<semaphore_mem>>)
    %dma_wait3A_404 = arith.constant 24 : i32
    %dma_wait3A_405 = arith.constant 0 : i32
    %dma_wait3A_406 = tpu.memref_slice %arg6[%dma_wait3A_404, %dma_wait3A_405] : memref<26x128xi32, #tpu.memory_space<vmem>> -> memref<1x128xi32, #tpu.memory_space<vmem>>
    %dma_wait3A_407 = tpu.memref_squeeze %dma_wait3A_406 : memref<1x128xi32, #tpu.memory_space<vmem>> -> memref<128xi32, #tpu.memory_space<vmem>>
    %dma_wait3A_408 = arith.constant 0 : i32
    %dma_wait3A_409 = arith.constant 0 : i32
    %dma_wait3A_410 = tpu.memref_slice %arg4[%dma_wait3A_408, %dma_wait3A_409] : memref<26000x128xf32, #tpu.memory_space<hbm>> -> memref<26000x128xf32, #tpu.memory_space<hbm>>
    tpu.wait_indirect_dma semaphore(%arg10 : memref<!tpu.dma_semaphore, #tpu.memory_space<semaphore_mem>>) src(%dma_wait3A_410 : memref<26000x128xf32, #tpu.memory_space<hbm>>) dst(%arg8 : memref<128x128xf32, #tpu.memory_space<vmem>>)
    %add3A_411 = arith.constant 3072 : i32
    %add3A_412 = arith.addi %mul3A_2, %add3A_411 : i32
    "tpu.region"() ({
      %run_scoped3A = tpu.sem_alloc : memref<!tpu.dma_semaphore, #tpu.memory_space<semaphore_mem>>
      %dma_start3A_422 = arith.constant 0 : i32
      %dma_start3A_423 = tpu.memref_slice %arg5[%add3A_412, %dma_start3A_422] : memref<106496x128xf32, #tpu.memory_space<hbm>> -> memref<128x128xf32, #tpu.memory_space<hbm>>
      %dma_start3A_424 = arith.constant 0 : i32
      %dma_start3A_425 = tpu.memref_slice %arg5[%add3A_412, %dma_start3A_424] : memref<106496x128xf32, #tpu.memory_space<hbm>> -> memref<128x128xf32, #tpu.memory_space<hbm>>
      tpu.enqueue_dma source(%arg8 : memref<128x128xf32, #tpu.memory_space<vmem>>) target(%dma_start3A_425 : memref<128x128xf32, #tpu.memory_space<hbm>>) target_semaphore(%run_scoped3A : memref<!tpu.dma_semaphore, #tpu.memory_space<semaphore_mem>>)
      %dma_wait3A_426 = arith.constant 0 : i32
      %dma_wait3A_427 = tpu.memref_slice %arg5[%add3A_412, %dma_wait3A_426] : memref<106496x128xf32, #tpu.memory_space<hbm>> -> memref<128x128xf32, #tpu.memory_space<hbm>>
      %dma_wait3A_428 = arith.constant 0 : i32
      %dma_wait3A_429 = tpu.memref_slice %arg5[%add3A_412, %dma_wait3A_428] : memref<106496x128xf32, #tpu.memory_space<hbm>> -> memref<128x128xf32, #tpu.memory_space<hbm>>
      tpu.wait_dma2 semaphore(%run_scoped3A : memref<!tpu.dma_semaphore, #tpu.memory_space<semaphore_mem>>) src(%arg8 : memref<128x128xf32, #tpu.memory_space<vmem>>) dst(%dma_wait3A_429 : memref<128x128xf32, #tpu.memory_space<hbm>>)
      tpu.yield
    }) : () -> ()
    %dma_wait3A_413 = arith.constant 25 : i32
    %dma_wait3A_414 = arith.constant 0 : i32
    %dma_wait3A_415 = tpu.memref_slice %arg6[%dma_wait3A_413, %dma_wait3A_414] : memref<26x128xi32, #tpu.memory_space<vmem>> -> memref<1x128xi32, #tpu.memory_space<vmem>>
    %dma_wait3A_416 = tpu.memref_squeeze %dma_wait3A_415 : memref<1x128xi32, #tpu.memory_space<vmem>> -> memref<128xi32, #tpu.memory_space<vmem>>
    %dma_wait3A_417 = arith.constant 0 : i32
    %dma_wait3A_418 = arith.constant 0 : i32
    %dma_wait3A_419 = tpu.memref_slice %arg4[%dma_wait3A_417, %dma_wait3A_418] : memref<26000x128xf32, #tpu.memory_space<hbm>> -> memref<26000x128xf32, #tpu.memory_space<hbm>>
    tpu.wait_indirect_dma semaphore(%arg11 : memref<!tpu.dma_semaphore, #tpu.memory_space<semaphore_mem>>) src(%dma_wait3A_419 : memref<26000x128xf32, #tpu.memory_space<hbm>>) dst(%arg9 : memref<128x128xf32, #tpu.memory_space<vmem>>)
    %add3A_420 = arith.constant 3200 : i32
    %add3A_421 = arith.addi %mul3A_2, %add3A_420 : i32
    "tpu.region"() ({
      %run_scoped3A = tpu.sem_alloc : memref<!tpu.dma_semaphore, #tpu.memory_space<semaphore_mem>>
      %dma_start3A_422 = arith.constant 0 : i32
      %dma_start3A_423 = tpu.memref_slice %arg5[%add3A_421, %dma_start3A_422] : memref<106496x128xf32, #tpu.memory_space<hbm>> -> memref<128x128xf32, #tpu.memory_space<hbm>>
      %dma_start3A_424 = arith.constant 0 : i32
      %dma_start3A_425 = tpu.memref_slice %arg5[%add3A_421, %dma_start3A_424] : memref<106496x128xf32, #tpu.memory_space<hbm>> -> memref<128x128xf32, #tpu.memory_space<hbm>>
      tpu.enqueue_dma source(%arg9 : memref<128x128xf32, #tpu.memory_space<vmem>>) target(%dma_start3A_425 : memref<128x128xf32, #tpu.memory_space<hbm>>) target_semaphore(%run_scoped3A : memref<!tpu.dma_semaphore, #tpu.memory_space<semaphore_mem>>)
      %dma_wait3A_426 = arith.constant 0 : i32
      %dma_wait3A_427 = tpu.memref_slice %arg5[%add3A_421, %dma_wait3A_426] : memref<106496x128xf32, #tpu.memory_space<hbm>> -> memref<128x128xf32, #tpu.memory_space<hbm>>
      %dma_wait3A_428 = arith.constant 0 : i32
      %dma_wait3A_429 = tpu.memref_slice %arg5[%add3A_421, %dma_wait3A_428] : memref<106496x128xf32, #tpu.memory_space<hbm>> -> memref<128x128xf32, #tpu.memory_space<hbm>>
      tpu.wait_dma2 semaphore(%run_scoped3A : memref<!tpu.dma_semaphore, #tpu.memory_space<semaphore_mem>>) src(%arg9 : memref<128x128xf32, #tpu.memory_space<vmem>>) dst(%dma_wait3A_429 : memref<128x128xf32, #tpu.memory_space<hbm>>)
      tpu.yield
    }) : () -> ()
    return
  }
}

</mosaic_0001>

<sc_bundles>
// kernel: _sc_gather.3.cloned.1.call-start
scs
__scs_entry_jumppad:
0x0: {  	(pc) =	sbr.rel $0x88, $3  }
0x1: {  	(tag) =	ssettag $0x0;
	lr =	simm.s32 $0x1  }
0x2: {  	[smem:$0x3F9E] =	sst lr;
	_ =	strace $0xD0000000  }
0x3: {  	_ = 	snop  }
0x4: {  	_ = 	snop  }
0x5: {  	_ = 	snop  }
0x6: {  	_ = 	snop  }
0x7: {  	_ = 	snop  }
__scs_overlays_trampoline_lowered:
0x8: {  	[smem:$0x3FAD] =	sst s0  }
0x9: {  	[smem:$0x3FAE] =	sst s1  }
0xa: {  	[smem:$0x3FAF] =	sst s2  }
0xb: {  	[smem:$0x3FB0] =	sst s3  }
0xc: {  	[smem:$0x3FB1] =	sst s4  }
0xd: {  	[smem:$0x3FB2] =	sst s5  }
0xe: {  	[smem:$0x3FB3] =	sst s6  }
0xf: {  	[smem:$0x3FB4] =	sst s7  }
0x10: {  	[smem:$0x3FB5] =	sst s8  }
0x11: {  	[smem:$0x3FB6] =	sst s9;
	s0 =	simm.s32 @!p0 $0x0  }
0x12: {  	s1 =	sld [smem:$0x3F9C];
	s0 =	simm.s32 @p0 $0x1  }
0x13: {  	[smem:$0x3FB7] =	sst s0;
	s0 =	simm.s32 @!p1 $0x0  }
0x14: {  	s2 =	sld [smem:$0x3F9B];
	s0 =	simm.s32 @p1 $0x1  }
0x15: {  	[smem:$0x3FB8] =	sst s0;
	s0 =	simm.s32 @!p2 $0x0  }
0x16: {  	s3 =	sld [smem:$0x3FDB];
	s0 =	simm.s32 @p2 $0x1  }
0x17: {  	s4 =	simm.s32 $0x1BF5;
	[smem:$0x3FBA] =	sst s0  }
0x18: {  	s0 =	sld [smem:$0x3F9D];
	_ =	swait.ge [sflag:s4], $0x0  }
0x19: {  	s7 =	sld [smem:$0x3F9E]  }
0x1a: {  	s8 =	sadd.s32 $0xFFFFE003, lr  }
0x1b: {  	s9 =	sadd.s32 $0xFFFFFEF7, lr;
	s5 =	simm.s32 $0xFFFFFFFF;
	p2 =	slt.u32 s8, $0xFFFFF086  }
0x1c: {  	p1 =	slt.u32 s9, $0xF7A;
	s5 =	simm.s32 @!p2 $0x0  }
0x1d: {  	s5 =	simm.s32 @p1 $0x1;
	p0 =	seq.s32 s7, s2  }
0x1e: {  	s7 =	smul.u32 @!p0 $0xF7A, s2;
	p2 =	seq.s32 @!p0 s5, $0x0  }
0x1f: {  	s9 =	smul.u32 $0xF7A, s1;
	s8 =	simm.s32 @!p0 $0x1BF5;
	p2 =	por !p2, p0  }
0x20: {  	[sflag:s8] =	ssyncset.s32 @!p0 $0xFFFFF086;
	s6 =	sadd.s32 @!p0 s3, s7;
	s7 =	simm.s32 @!p0 $0x108  }
0x21: {  	s3 =	sadd.s32 s3, s9;
	s6 =	sadd.s32 @!p0 $0x88, s6;
	s7 =	simm.s32 @p2 $0x1082  }
0x22: {  	[simem:s7], [sflag:s8] =	dma.local @!p0 [hbm:s6], $0xF7A  }
0x23: {  	s9 =	sor.u32 $0xD0000000, s2;
	s6 =	simm.s32 $0x108;
	_ =	swait.ge @!p0 [sflag:s8], $0x0  }
0x24: {  	s3 =	sadd.s32 $0x88, s3;
	s6 =	simm.s32 @!p1 $0x1082;
	[sflag:s4] =	ssyncset.s32 $0xFFFFF086  }
0x25: {  	[simem:s6], [sflag:s4] =	dma.local [hbm:s3], $0xF7A  }
0x26: {  	[smem:$0x3F9E] =	sst s1;
	(tag) =	ssettag s2;
	_ =	strace s9  }
0x27: {  	s1 =	sld [smem:$0x3FAE]  }
0x28: {  	s2 =	sld [smem:$0x3FAF]  }
0x29: {  	s4 =	sld [smem:$0x3FB1]  }
0x2a: {  	p0 =	seq.s32 s5, $0x0;
	s5 =	sld [smem:$0x3FB2]  }
0x2b: {  	s6 =	sld [smem:$0x3FB3]  }
0x2c: {  	s7 =	sld [smem:$0x3FB4]  }
0x2d: {  	s3 =	simm.s32 $0x108;
	s8 =	sld [smem:$0x3FB5]  }
0x2e: {  	s3 =	simm.s32 @!p0 $0x1082;
	s9 =	sld [smem:$0x3FB6]  }
0x2f: {  	lr =	sadd.s32 s0, s3;
	s0 =	sld [smem:$0x3FAD]  }
0x30: {  	s3 =	sld [smem:$0x3FB0]  }
0x31: {  	[smem:$0x3FB9] =	sst s10  }
0x32: {  	s10 =	sld [smem:$0x3FB7];
	_ =	sdelay $0x3  }
0x33: {  	p0 =	seq.s32 s10, $0x1;
	s10 =	sld [smem:$0x3FB9];
	_ =	sdelay $0x3  }
0x34: {  	[smem:$0x3FB9] =	sst s10  }
0x35: {  	s10 =	sld [smem:$0x3FB8];
	_ =	sdelay $0x3  }
0x36: {  	p1 =	seq.s32 s10, $0x1;
	s10 =	sld [smem:$0x3FB9];
	_ =	sdelay $0x3  }
0x37: {  	[smem:$0x3FB9] =	sst s10  }
0x38: {  	s10 =	sld [smem:$0x3FBA]  }
0x39: {  	_ = 	snop;
	(pc) =	sbr.ind lr, $3  }
0x3a: {  	_ = 	snop  }
0x3b: {  	_ = 	snop  }
0x3c: {  	p2 =	seq.s32 s10, $0x1;
	s10 =	sld [smem:$0x3FB9]  }
0x3d: {  	_ =	shalt  }
0x3e: {  	_ =	shalt  }
0x3f: {  	_ =	shalt  }
0x40: {  	_ =	shalt  }
0x41: {  	_ =	shalt  }
0x42: {  	_ =	shalt  }
0x43: {  	_ =	shalt  }
0x44: {  	_ =	shalt  }
0x45: {  	_ =	shalt  }
0x46: {  	_ =	shalt  }
0x47: {  	_ =	shalt  }
0x48: {  	_ =	shalt  }
0x49: {  	_ =	shalt  }
0x4a: {  	_ =	shalt  }
0x4b: {  	_ =	shalt  }
0x4c: {  	_ =	shalt  }
0x4d: {  	_ =	shalt  }
0x4e: {  	_ =	shalt  }
0x4f: {  	_ =	shalt  }
0x50: {  	_ =	shalt  }
0x51: {  	_ =	shalt  }
0x52: {  	_ =	shalt  }
0x53: {  	_ =	shalt  }
0x54: {  	_ =	shalt  }
0x55: {  	_ =	shalt  }
0x56: {  	_ =	shalt  }
0x57: {  	_ =	shalt  }
0x58: {  	_ =	shalt  }
0x59: {  	_ =	shalt  }
0x5a: {  	_ =	shalt  }
0x5b: {  	_ =	shalt  }
0x5c: {  	_ =	shalt  }
0x5d: {  	_ =	shalt  }
0x5e: {  	_ =	shalt  }
0x5f: {  	_ =	shalt  }
0x60: {  	_ =	shalt  }
0x61: {  	_ =	shalt  }
0x62: {  	_ =	shalt  }
0x63: {  	_ =	shalt  }
0x64: {  	_ =	shalt  }
0x65: {  	_ =	shalt  }
0x66: {  	_ =	shalt  }
0x67: {  	_ =	shalt  }
0x68: {  	_ =	shalt  }
0x69: {  	_ =	shalt  }
0x6a: {  	_ =	shalt  }
0x6b: {  	_ =	shalt  }
0x6c: {  	_ =	shalt  }
0x6d: {  	_ =	shalt  }
0x6e: {  	_ =	shalt  }
0x6f: {  	_ =	shalt  }
0x70: {  	_ =	shalt  }
0x71: {  	_ =	shalt  }
0x72: {  	_ =	shalt  }
0x73: {  	_ =	shalt  }
0x74: {  	_ =	shalt  }
0x75: {  	_ =	shalt  }
0x76: {  	_ =	shalt  }
0x77: {  	_ =	shalt  }
0x78: {  	_ =	shalt  }
0x79: {  	_ =	shalt  }
0x7a: {  	_ =	shalt  }
0x7b: {  	_ =	shalt  }
0x7c: {  	_ =	shalt  }
0x7d: {  	_ =	shalt  }
0x7e: {  	_ =	shalt  }
0x7f: {  	_ =	shalt  }
0x80: {  	_ =	shalt  }
0x81: {  	_ =	shalt  }
0x82: {  	_ =	shalt  }
0x83: {  	_ =	shalt  }
0x84: {  	_ =	shalt  }
0x85: {  	_ =	shalt  }
0x86: {  	_ =	shalt  }
0x87: {  	_ =	shalt  }
.Lfunc_end0:
.L_simem_size_0:
called_computation_lowered:
.L_overlay_start_0:
0x88: {  	s2 =	sld [smem:$0x3FD9]  }
0x89: {  	s3 =	sld [smem:$0x3FFE];
	_ =	sdelay $0x1  }
0x8a: {  	s1 =	srdreg.scid  }
0x8b: {  	s0 =	sand.u32 $0x1, s1  }
0x8c: {  	s17 =	sshll.u32 s0, $0xA;
	s2 =	sadd.s32 s3, s2  }
0x8d: {  	s2 =	sadd.s32 s2, s17  }
0x8e: {  	[smem:$0x3FC5] =	sst s2  }
0x8f: {  	_ = 	snop  }
0x90: {  	s2 =	sld [smem:$0x3FC8]  }
0x91: {  	s18 =	sld [smem:$0x3FC7]  }
0x92: {  	s4 =	sld [smem:$0x3FD0];
	(tm) =	ssettm $0x1  }
0x93: {  	s5 =	sld [smem:$0x3FFB];
	_ =	sdelay $0x3  }
0x94: {  	_ =	strace s5  }
0x95: {  	s5 =	sld [smem:$0x3FFC];
	_ =	sdelay $0x3  }
0x96: {  	_ =	strace s5  }
0x97: {  	s5 =	sld [smem:$0x3FFD];
	_ =	sdelay $0x3  }
0x98: {  	_ =	strace s5  }
0x99: {  	_ =	strace $0x8FFFFFFF  }
0x9a: {  	s19 =	sld [smem:$0x3FDB];
	_ =	sdelay $0x1  }
0x9b: {  	s6 =	simm.s32 $_scs_section_size  }
0x9c: {  	s7 =	simm.s32 $_size__tile_overlayer_lowered;
	s8 =	simm.s32 $_tile_overlayer_lowered  }
0x9d: {  	s22 =	simm.s32 $0x1BFF;
	s21 =	sshll.u32 s8, $0x1;
	s5 =	sadd.s32 s6, s19  }
0x9e: {  	s9 =	simm.s32 $0x0;
	s20 =	sshll.u32 s7, $0x1;
	s7 =	sadd.s32 s21, s5  }
0x9f: {  	[timem:s9], [sflag:s22] =	dma.local [hbm:s7], s20  }
0xa0: {  	_ =	swait.ge [sflag:s22], s20  }
0xa1: {  	s6 =	ssub.s32 $0x0, s20;
	[sflag:s22] =	ssyncset.done $0x0  }
0xa2: {  	[sflag:s22] =	ssyncadd.s32 s6;
	_ =	sdelay $0x1  }
0xa3: {  	s23 =	simm.s32 $0x1B8B  }
0xa4: {  	_ =	swait.ge [sflag:s23], $0x1  }
0xa5: {  	[sflag:s23] =	ssyncset.done $0x0  }
0xa6: {  	s25 =	simm.s32 $0x1B8E;
	s24 =	sld [smem:$0x3FFE];
	[sflag:s23] =	ssyncadd.s32 $0xFFFFFFFF  }
0xa7: {  	s26 =	simm.s32 $execute0_lowered;
	[smem:$0x3FD2] =	sst s25  }
0xa8: {  	s7 =	sshll.u32 s26, $0x1;
	_ =	strace $0x80000046;
	[dreg:$0x1] =	wrdreg $0xFFFFFFFF  }
0xa9: {  	s28 =	simm.s32 $_size_execute0_lowered;
	s5 =	sadd.s32 s5, s7;
	[dreg:$0x0] =	wrdreg $0x0  }
0xaa: {  	s7 =	sshll.u32 s28, $0x1;
	[dreg:$0x2] =	wrdreg s5  }
0xab: {  	[dreg:$0x3] =	wrdreg s7  }
0xac: {  	[dreg:$0x4] =	wrdreg $0xC0  }
0xad: {  	_ =	task [dreg:s9], $0x5FFFF  }
0xae: {  	[dreg:$0x1] =	wrdreg $0xFFFFFFFF  }
0xaf: {  	[dreg:$0x0] =	wrdreg $0x60  }
0xb0: {  	[dreg:$0x2] =	wrdreg s24  }
0xb1: {  	[dreg:$0x3] =	wrdreg s2  }
0xb2: {  	[dreg:$0x4] =	wrdreg s18  }
0xb3: {  	[dreg:$0x5] =	wrdreg s4  }
0xb4: {  	[dreg:$0x6] =	wrdreg $0x9  }
0xb5: {  	_ =	task.clear_ibuf [dreg:s9], $0x7FFFF;
	_ =	strace $0x90000046  }
0xb6: {  	s29 =	simm.s32 $0x9;
	_ =	strace $0x80000048  }
0xb7: {  	_ =	swait.ge [sflag:s29], $0x1  }
0xb8: {  	[sflag:s29] =	ssyncadd.s32 $0xFFFFFFFF  }
0xb9: {  	_ =	strace $0x90000048  }
0xba: {  	_ =	sfence  }
0xbb: {  	s30 =	sld [smem:$0x0];
	_ =	sdelay $0x2  }
0xbc: {  	s31 =	sshll.u32 s1, $0xD;
	s1 =	sshrl.u32 s1, $0x2  }
0xbd: {  	s3 =	sand.u32 $0x4000, s31;
	s1 =	sadd.s32 s1, s30  }
0xbe: {  	s0 =	sor.u32 s3, s0;
	s1 =	sshll.u32 s1, $0x11  }
0xbf: {  	s0 =	sor.u32 s1, s0  }
0xc0: {  	s0 =	sadd.s32 $0x8F2B, s0  }
0xc1: {  	[sflag:s0] =	ssyncadd.remote.s32 $0x1  }
0xc2: {  	_ =	sfence.sel $0xFFFF  }
0xc3: {  	[dreg:$0x0] =	wrdreg $0xFFFFFFFF;
	(pc) =	sbr.abs _section_cstart, $3  }
0xc4: {  	[dreg:$0x1] =	wrdreg $0xFFFFFFFF  }
0xc5: {  	_ =	task.clear_ibuf [dreg:s9], $0x2FFFF;
	_ =	strace $0x9FFFFFFF  }
0xc6: {  	(tm) =	ssettm $0x7FFFFFFF  }
0xc7: {  	_ =	shalt  }
tec
execute0_lowered:
.L_overlay_start_1:
0x0: {  	(tag) =	ssettag $0x1  }
0x1: {  	s0 =	rddreg [dreg:$0x0]  }
0x2: {  	s3 =	rddreg [dreg:$0x2]  }
0x3: {  	s1 =	srdreg.scid;
	s2 =	rddreg [dreg:$0x3]  }
0x4: {  	s6 =	stileid.u32;
	s4 =	simm.s32 $0x0;
	s1 =	sand.u32 $0x1, s1  }
0x5: {  	s9 =	simm.s32 $0x1;
	s10 =	simm.s32 $0x2;
	s5 =	sshll.u32 s1, $0x4  }
0x6: {  	s11 =	simm.s32 $0x0;
	[smem:$0x7FF] =	sst s4;
	s5 =	sor.u32 s6, s5  }
0x7: {  	_ =	strace $0x80000047;
	s1 =	ssub.s32 $0x2, s1;
	s6 =	smul.u32 $0x68000, s5  }
0x8: {  	s8 =	sshrl.u32 s1, $0x1;
	s7 =	sshll.u32 s5, $0x9;
	s5 =	smul.u32 $0xD000, s5  }
0x9: {  	s1 =	ssub.s32 s1, s8;
	s8 =	simm.s32 $0x6000;
	s0 =	sadd.s32 s7, s0  }
0xa: {  	s1 =	smax.u32 s1, $0x1;
	s6 =	sshrl.u32 s6, $0x3;
	s0 =	sadd.s32 $0x400, s0  }
0xb: {  	s7 =	simm.s32 $0x2000;
	s14 =	sadd.s32 s2, s6;
	[dreg:$0x5] =	wrdreg s0  }
0xc: {  	s6 =	sadd.s32 s2, s5;
	s0 =	simm.s32 $0x3;
	s5 =	simm.s32 $0x80  }
0xd: {  	s19 =	sadd.s32 $0x1000, s14;
	s20 =	sadd.s32 $0x1800, s14;
	s21 =	sadd.s32 $0x2000, s14  }
0xe: {  	s22 =	sadd.s32 $0x2800, s14;
	s23 =	sadd.s32 $0x3000, s14;
	[dreg:$0x6] =	wrdreg s19  }
0xf: {  	s24 =	sadd.s32 $0x3800, s14;
	s25 =	sadd.s32 $0x4000, s14;
	[dreg:$0x7] =	wrdreg s20  }
0x10: {  	s26 =	sadd.s32 $0x4800, s14;
	s15 =	sadd.s32 $0x5000, s14;
	[dreg:$0x8] =	wrdreg s21  }
0x11: {  	s16 =	sadd.s32 $0x5800, s14;
	s17 =	sadd.s32 $0x6000, s14;
	[dreg:$0x9] =	wrdreg s22  }
0x12: {  	s18 =	sadd.s32 $0x6800, s14;
	s28 =	sadd.s32 $0xB000, s14;
	[dreg:$0xa] =	wrdreg s23  }
0x13: {  	s29 =	sadd.s32 $0xB800, s14;
	s30 =	sadd.s32 $0xC000, s14;
	[dreg:$0xb] =	wrdreg s24  }
0x14: {  	s31 =	sadd.s32 $0xC800, s14;
	s2 =	sadd.s32 $0x800, s6;
	[dreg:$0xc] =	wrdreg s25  }
0x15: {  	[dreg:$0xd] =	wrdreg s26;
	s19 =	sadd.s32 $0x7000, s14;
	s20 =	sadd.s32 $0x7800, s14  }
0x16: {  	s21 =	sadd.s32 $0x8000, s14;
	s22 =	sadd.s32 $0x8800, s14;
	s23 =	sadd.s32 $0x9000, s14  }
0x17: {  	s24 =	sadd.s32 $0x9800, s14;
	s25 =	sadd.s32 $0xA000, s14;
	s26 =	sadd.s32 $0xA800, s14  }
.LBB2_1:
0x18: {  	s12 =	rddreg [dreg:$0x5]  }
0x19: {  	[tilespmem:s4], [sflag:$0x3] =	stream.linear.gather [hbm4b:s12+s4], $0xD00, $0x38;
	[tilespmem:$0xA000] =	vst v63  }
0x1a: {  	_ =	swait.ge [sflag:s0], $0xD00  }
0x1b: {  	[sflag:s0] =	ssyncset.done $0x0  }
0x1c: {  	[sflag:s0] =	ssyncadd.s32 $0xFFFFF300  }
0x1d: {  	s13 =	simm.s32 $0x1000;
	s14 =	rddreg [dreg:$0x1]  }
0x1e: {  	[tilespmem:s13], [sflag:$0x3] =	stream.linear.gather [hbm4b:s14+s4], $0xD00, $0x38;
	[tilespmem:$0xA000] =	vst v63  }
0x1f: {  	_ =	swait.ge [sflag:s0], $0xD00  }
0x20: {  	[sflag:s0] =	ssyncset.done $0x0  }
0x21: {  	s12 =	simm.s32 $0x0;
	[sflag:s0] =	ssyncadd.s32 $0xFFFFF300  }
0x22: {  	v6 =	vld [tilespmem:s12+$0x1000]  }
0x23: {  	v8 =	vld [tilespmem:s12+$0x1010]  }
0x24: {  	v5 =	vld [tilespmem:s12+$0x1020]  }
0x25: {  	v4 =	vld [tilespmem:s12+$0x1030]  }
0x26: {  	v3 =	vld [tilespmem:s12+$0x1040]  }
0x27: {  	v2 =	vld [tilespmem:s12+$0x1050]  }
0x28: {  	v1 =	vld [tilespmem:s12+$0x1060]  }
0x29: {  	v0 =	vld [tilespmem:s12+$0x1070]  }
0x2a: {  	v11 =	vld [tilespmem:s12+$0x0]  }
0x2b: {  	v12 =	vld [tilespmem:s12+$0x10]  }
0x2c: {  	v10 =	vld [tilespmem:s12+$0x20]  }
0x2d: {  	v9 =	vld [tilespmem:s12+$0x30]  }
0x2e: {  	v7 =	vld [tilespmem:s12+$0x40]  }
0x2f: {  	v11 =	vadd.s32 v11, v6;
	v6 =	vld [tilespmem:s12+$0x50]  }
0x30: {  	s13 =	simm.s32 $0x200;
	[tilespmem:s12+$0x0] =	vst v11;
	v11 =	vadd.s32 v12, v8;
	v8 =	vld [tilespmem:s12+$0x60]  }
.LBB2_2:
0x31: {  	s14 =	sshra.s32 s13, $0x2;
	p0 =	sne.s32 s13, $0x3200;
	[tilespmem:s12+$0x10] =	vst v11;
	v5 =	vadd.s32 v10, v5;
	v10 =	vld [tilespmem:s12+$0x70]  }
0x32: {  	v11 =	vld [tilespmem:s14+$0x1000];
	[tilespmem:s12+$0x20] =	vst v5;
	v4 =	vadd.s32 v9, v4  }
0x33: {  	v12 =	vld [tilespmem:s14+$0x1010];
	[tilespmem:s12+$0x30] =	vst v4;
	v3 =	vadd.s32 v7, v3  }
0x34: {  	v5 =	vld [tilespmem:s14+$0x1020];
	[tilespmem:s12+$0x40] =	vst v3;
	v2 =	vadd.s32 v6, v2  }
0x35: {  	v4 =	vld [tilespmem:s14+$0x1030];
	[tilespmem:s12+$0x50] =	vst v2;
	v1 =	vadd.s32 v8, v1  }
0x36: {  	v3 =	vld [tilespmem:s14+$0x1040];
	[tilespmem:s12+$0x60] =	vst v1;
	v0 =	vadd.s32 v10, v0  }
0x37: {  	v2 =	vld [tilespmem:s14+$0x1050];
	[tilespmem:s12+$0x70] =	vst v0;
	s12 =	smov.u32 s14  }
0x38: {  	v1 =	vld [tilespmem:s12+$0x1060]  }
0x39: {  	v0 =	vld [tilespmem:s12+$0x1070]  }
0x3a: {  	v6 =	vld [tilespmem:s12+$0x0]  }
0x3b: {  	v8 =	vld [tilespmem:s12+$0x10]  }
.Ltmp0:
0x3c: {  	v10 =	vld [tilespmem:s12+$0x20];
	(pc) =	sbr.rel @p0 .LBB2_2-.Ltmp0, $4  }
0x3d: {  	v9 =	vld [tilespmem:s12+$0x30]  }
0x3e: {  	v7 =	vld [tilespmem:s12+$0x40]  }
0x3f: {  	v11 =	vadd.s32 v6, v11;
	v6 =	vld [tilespmem:s12+$0x50]  }
0x40: {  	s13 =	sadd.s32 $0x200, s13;
	[tilespmem:s12+$0x0] =	vst v11;
	v11 =	vadd.s32 v8, v12;
	v8 =	vld [tilespmem:s12+$0x60]  }
0x41: {  	[tilespmem:s12+$0x10] =	vst v11;
	v5 =	vadd.s32 v10, v5;
	v63 =	vld [tilespmem:s12+$0x70]  }
0x42: {  	[tilespmem:s12+$0x20] =	vst v5;
	v4 =	vadd.s32 v9, v4  }
0x43: {  	[tilespmem:s12+$0x30] =	vst v4;
	v3 =	vadd.s32 v7, v3  }
0x44: {  	[tilespmem:s12+$0x40] =	vst v3;
	v2 =	vadd.s32 v6, v2  }
0x45: {  	[tilespmem:s12+$0x50] =	vst v2;
	v1 =	vadd.s32 v8, v1  }
0x46: {  	[tilespmem:s12+$0x60] =	vst v1;
	v0 =	vadd.s32 v63, v0  }
0x47: {  	[tilespmem:s12+$0x70] =	vst v0  }
0x48: {  	[tilespmem:s7], [sflag:$0x1] =	stream.indirect.gather [hbm4b:s3+s5], $0x80, s4, s5, $0xb8;
	[tilespmem:$0xA000] =	vst v63  }
0x49: {  	_ = 	snop  }
0x4a: {  	[tilespmem:s8], [sflag:$0x2] =	stream.indirect.gather [hbm4b:s3+s5], $0x80, s5, s5, $0xb8;
	[tilespmem:$0xA000] =	vst v63  }
0x4b: {  	_ =	swait.ge [sflag:s9], $0x4000  }
0x4c: {  	[sflag:s9] =	ssyncset.done $0x0  }
0x4d: {  	[sflag:s9] =	ssyncadd.s32 $0xFFFFC000  }
0x4e: {  	[hbm4b:s6+s4] =	stream.linear.scatter [tilespmem:s7], [sflag:$0x3], $0x4000, $0x38;
	[tilespmem:$0xA000] =	vst v63  }
0x4f: {  	_ =	swait.ge [sflag:s0], $0x4000  }
0x50: {  	[sflag:s0] =	ssyncset.done $0x0  }
0x51: {  	s13 =	simm.s32 $0x100;
	[sflag:s0] =	ssyncadd.s32 $0xFFFFC000  }
0x52: {  	[tilespmem:s7], [sflag:$0x1] =	stream.indirect.gather [hbm4b:s3+s5], $0x80, s13, s5, $0xb8;
	[tilespmem:$0xA000] =	vst v63  }
0x53: {  	_ =	swait.ge [sflag:s10], $0x4000  }
0x54: {  	[sflag:s10] =	ssyncset.done $0x0  }
0x55: {  	[sflag:s10] =	ssyncadd.s32 $0xFFFFC000  }
0x56: {  	[hbm4b:s2+s4] =	stream.linear.scatter [tilespmem:s8], [sflag:$0x3], $0x4000, $0x38;
	[tilespmem:$0xA000] =	vst v63  }
0x57: {  	_ =	swait.ge [sflag:s0], $0x4000  }
0x58: {  	[sflag:s0] =	ssyncset.done $0x0  }
0x59: {  	s14 =	simm.s32 $0x180;
	[sflag:s0] =	ssyncadd.s32 $0xFFFFC000  }
0x5a: {  	[tilespmem:s8], [sflag:$0x2] =	stream.indirect.gather [hbm4b:s3+s5], $0x80, s14, s5, $0xb8;
	[tilespmem:$0xA000] =	vst v63  }
0x5b: {  	_ =	swait.ge [sflag:s9], $0x4000  }
0x5c: {  	[sflag:s9] =	ssyncset.done $0x0  }
0x5d: {  	s13 =	rddreg [dreg:$0x6];
	[sflag:s9] =	ssyncadd.s32 $0xFFFFC000  }
0x5e: {  	[hbm4b:s13+s4] =	stream.linear.scatter [tilespmem:s7], [sflag:$0x3], $0x4000, $0x38;
	[tilespmem:$0xA000] =	vst v63  }
0x5f: {  	_ =	swait.ge [sflag:s0], $0x4000  }
0x60: {  	[sflag:s0] =	ssyncset.done $0x0  }
0x61: {  	s14 =	simm.s32 $0x200;
	[sflag:s0] =	ssyncadd.s32 $0xFFFFC000  }
0x62: {  	[tilespmem:s7], [sflag:$0x1] =	stream.indirect.gather [hbm4b:s3+s5], $0x80, s14, s5, $0xb8;
	[tilespmem:$0xA000] =	vst v63  }
0x63: {  	_ =	swait.ge [sflag:s10], $0x4000  }
0x64: {  	[sflag:s10] =	ssyncset.done $0x0  }
0x65: {  	s13 =	rddreg [dreg:$0x7];
	[sflag:s10] =	ssyncadd.s32 $0xFFFFC000  }
0x66: {  	[hbm4b:s13+s4] =	stream.linear.scatter [tilespmem:s8], [sflag:$0x3], $0x4000, $0x38;
	[tilespmem:$0xA000] =	vst v63  }
0x67: {  	_ =	swait.ge [sflag:s0], $0x4000  }
0x68: {  	[sflag:s0] =	ssyncset.done $0x0  }
0x69: {  	s14 =	simm.s32 $0x280;
	[sflag:s0] =	ssyncadd.s32 $0xFFFFC000  }
0x6a: {  	[tilespmem:s8], [sflag:$0x2] =	stream.indirect.gather [hbm4b:s3+s5], $0x80, s14, s5, $0xb8;
	[tilespmem:$0xA000] =	vst v63  }
0x6b: {  	_ =	swait.ge [sflag:s9], $0x4000  }
0x6c: {  	[sflag:s9] =	ssyncset.done $0x0  }
0x6d: {  	s13 =	rddreg [dreg:$0x8];
	[sflag:s9] =	ssyncadd.s32 $0xFFFFC000  }
0x6e: {  	[hbm4b:s13+s4] =	stream.linear.scatter [tilespmem:s7], [sflag:$0x3], $0x4000, $0x38;
	[tilespmem:$0xA000] =	vst v63  }
0x6f: {  	_ =	swait.ge [sflag:s0], $0x4000  }
0x70: {  	[sflag:s0] =	ssyncset.done $0x0  }
0x71: {  	s14 =	simm.s32 $0x300;
	[sflag:s0] =	ssyncadd.s32 $0xFFFFC000  }
0x72: {  	[tilespmem:s7], [sflag:$0x1] =	stream.indirect.gather [hbm4b:s3+s5], $0x80, s14, s5, $0xb8;
	[tilespmem:$0xA000] =	vst v63  }
0x73: {  	_ =	swait.ge [sflag:s10], $0x4000  }
0x74: {  	[sflag:s10] =	ssyncset.done $0x0  }
0x75: {  	s13 =	rddreg [dreg:$0x9];
	[sflag:s10] =	ssyncadd.s32 $0xFFFFC000  }
0x76: {  	[hbm4b:s13+s4] =	stream.linear.scatter [tilespmem:s8], [sflag:$0x3], $0x4000, $0x38;
	[tilespmem:$0xA000] =	vst v63  }
0x77: {  	_ =	swait.ge [sflag:s0], $0x4000  }
0x78: {  	[sflag:s0] =	ssyncset.done $0x0  }
0x79: {  	s14 =	simm.s32 $0x380;
	[sflag:s0] =	ssyncadd.s32 $0xFFFFC000  }
0x7a: {  	[tilespmem:s8], [sflag:$0x2] =	stream.indirect.gather [hbm4b:s3+s5], $0x80, s14, s5, $0xb8;
	[tilespmem:$0xA000] =	vst v63  }
0x7b: {  	_ =	swait.ge [sflag:s9], $0x4000  }
0x7c: {  	[sflag:s9] =	ssyncset.done $0x0  }
0x7d: {  	s13 =	rddreg [dreg:$0xa];
	[sflag:s9] =	ssyncadd.s32 $0xFFFFC000  }
0x7e: {  	[hbm4b:s13+s4] =	stream.linear.scatter [tilespmem:s7], [sflag:$0x3], $0x4000, $0x38;
	[tilespmem:$0xA000] =	vst v63  }
0x7f: {  	_ =	swait.ge [sflag:s0], $0x4000  }
0x80: {  	[sflag:s0] =	ssyncset.done $0x0  }
0x81: {  	s14 =	simm.s32 $0x400;
	[sflag:s0] =	ssyncadd.s32 $0xFFFFC000  }
0x82: {  	[tilespmem:s7], [sflag:$0x1] =	stream.indirect.gather [hbm4b:s3+s5], $0x80, s14, s5, $0xb8;
	[tilespmem:$0xA000] =	vst v63  }
0x83: {  	_ =	swait.ge [sflag:s10], $0x4000  }
0x84: {  	[sflag:s10] =	ssyncset.done $0x0  }
0x85: {  	s13 =	rddreg [dreg:$0xb];
	[sflag:s10] =	ssyncadd.s32 $0xFFFFC000  }
0x86: {  	[hbm4b:s13+s4] =	stream.linear.scatter [tilespmem:s8], [sflag:$0x3], $0x4000, $0x38;
	[tilespmem:$0xA000] =	vst v63  }
0x87: {  	_ =	swait.ge [sflag:s0], $0x4000  }
0x88: {  	[sflag:s0] =	ssyncset.done $0x0  }
0x89: {  	s14 =	simm.s32 $0x480;
	[sflag:s0] =	ssyncadd.s32 $0xFFFFC000  }
0x8a: {  	[tilespmem:s8], [sflag:$0x2] =	stream.indirect.gather [hbm4b:s3+s5], $0x80, s14, s5, $0xb8;
	[tilespmem:$0xA000] =	vst v63  }
0x8b: {  	_ =	swait.ge [sflag:s9], $0x4000  }
0x8c: {  	[sflag:s9] =	ssyncset.done $0x0  }
0x8d: {  	s13 =	rddreg [dreg:$0xc];
	[sflag:s9] =	ssyncadd.s32 $0xFFFFC000  }
0x8e: {  	[hbm4b:s13+s4] =	stream.linear.scatter [tilespmem:s7], [sflag:$0x3], $0x4000, $0x38;
	[tilespmem:$0xA000] =	vst v63  }
0x8f: {  	_ =	swait.ge [sflag:s0], $0x4000  }
0x90: {  	[sflag:s0] =	ssyncset.done $0x0  }
0x91: {  	s14 =	simm.s32 $0x500;
	[sflag:s0] =	ssyncadd.s32 $0xFFFFC000  }
0x92: {  	[tilespmem:s7], [sflag:$0x1] =	stream.indirect.gather [hbm4b:s3+s5], $0x80, s14, s5, $0xb8;
	[tilespmem:$0xA000] =	vst v63  }
0x93: {  	_ =	swait.ge [sflag:s10], $0x4000  }
0x94: {  	[sflag:s10] =	ssyncset.done $0x0  }
0x95: {  	s13 =	rddreg [dreg:$0xd];
	[sflag:s10] =	ssyncadd.s32 $0xFFFFC000  }
0x96: {  	[hbm4b:s13+s4] =	stream.linear.scatter [tilespmem:s8], [sflag:$0x3], $0x4000, $0x38;
	[tilespmem:$0xA000] =	vst v63  }
0x97: {  	_ =	swait.ge [sflag:s0], $0x4000  }
0x98: {  	[sflag:s0] =	ssyncset.done $0x0  }
0x99: {  	s14 =	simm.s32 $0x580;
	[sflag:s0] =	ssyncadd.s32 $0xFFFFC000  }
0x9a: {  	[tilespmem:s8], [sflag:$0x2] =	stream.indirect.gather [hbm4b:s3+s5], $0x80, s14, s5, $0xb8;
	[tilespmem:$0xA000] =	vst v63  }
0x9b: {  	_ =	swait.ge [sflag:s9], $0x4000  }
0x9c: {  	[sflag:s9] =	ssyncset.done $0x0  }
0x9d: {  	[sflag:s9] =	ssyncadd.s32 $0xFFFFC000  }
0x9e: {  	[hbm4b:s15+s4] =	stream.linear.scatter [tilespmem:s7], [sflag:$0x3], $0x4000, $0x38;
	[tilespmem:$0xA000] =	vst v63  }
0x9f: {  	_ =	swait.ge [sflag:s0], $0x4000  }
0xa0: {  	[sflag:s0] =	ssyncset.done $0x0  }
0xa1: {  	s13 =	simm.s32 $0x600;
	[sflag:s0] =	ssyncadd.s32 $0xFFFFC000  }
0xa2: {  	[tilespmem:s7], [sflag:$0x1] =	stream.indirect.gather [hbm4b:s3+s5], $0x80, s13, s5, $0xb8;
	[tilespmem:$0xA000] =	vst v63  }
0xa3: {  	_ =	swait.ge [sflag:s10], $0x4000  }
0xa4: {  	[sflag:s10] =	ssyncset.done $0x0  }
0xa5: {  	[sflag:s10] =	ssyncadd.s32 $0xFFFFC000  }
0xa6: {  	[hbm4b:s16+s4] =	stream.linear.scatter [tilespmem:s8], [sflag:$0x3], $0x4000, $0x38;
	[tilespmem:$0xA000] =	vst v63  }
0xa7: {  	_ =	swait.ge [sflag:s0], $0x4000  }
0xa8: {  	[sflag:s0] =	ssyncset.done $0x0  }
0xa9: {  	s14 =	simm.s32 $0x680;
	[sflag:s0] =	ssyncadd.s32 $0xFFFFC000  }
0xaa: {  	[tilespmem:s8], [sflag:$0x2] =	stream.indirect.gather [hbm4b:s3+s5], $0x80, s14, s5, $0xb8;
	[tilespmem:$0xA000] =	vst v63  }
0xab: {  	_ =	swait.ge [sflag:s9], $0x4000  }
0xac: {  	[sflag:s9] =	ssyncset.done $0x0  }
0xad: {  	[sflag:s9] =	ssyncadd.s32 $0xFFFFC000  }
0xae: {  	[hbm4b:s17+s4] =	stream.linear.scatter [tilespmem:s7], [sflag:$0x3], $0x4000, $0x38;
	[tilespmem:$0xA000] =	vst v63  }
0xaf: {  	_ =	swait.ge [sflag:s0], $0x4000  }
0xb0: {  	[sflag:s0] =	ssyncset.done $0x0  }
0xb1: {  	s13 =	simm.s32 $0x700;
	[sflag:s0] =	ssyncadd.s32 $0xFFFFC000  }
0xb2: {  	[tilespmem:s7], [sflag:$0x1] =	stream.indirect.gather [hbm4b:s3+s5], $0x80, s13, s5, $0xb8;
	[tilespmem:$0xA000] =	vst v63  }
0xb3: {  	_ =	swait.ge [sflag:s10], $0x4000  }
0xb4: {  	[sflag:s10] =	ssyncset.done $0x0  }
0xb5: {  	[sflag:s10] =	ssyncadd.s32 $0xFFFFC000  }
0xb6: {  	[hbm4b:s18+s4] =	stream.linear.scatter [tilespmem:s8], [sflag:$0x3], $0x4000, $0x38;
	[tilespmem:$0xA000] =	vst v63  }
0xb7: {  	_ =	swait.ge [sflag:s0], $0x4000  }
0xb8: {  	[sflag:s0] =	ssyncset.done $0x0  }
0xb9: {  	s14 =	simm.s32 $0x780;
	[sflag:s0] =	ssyncadd.s32 $0xFFFFC000  }
0xba: {  	[tilespmem:s8], [sflag:$0x2] =	stream.indirect.gather [hbm4b:s3+s5], $0x80, s14, s5, $0xb8;
	[tilespmem:$0xA000] =	vst v63  }
0xbb: {  	_ =	swait.ge [sflag:s9], $0x4000  }
0xbc: {  	[sflag:s9] =	ssyncset.done $0x0  }
0xbd: {  	[sflag:s9] =	ssyncadd.s32 $0xFFFFC000  }
0xbe: {  	[hbm4b:s19+s4] =	stream.linear.scatter [tilespmem:s7], [sflag:$0x3], $0x4000, $0x38;
	[tilespmem:$0xA000] =	vst v63  }
0xbf: {  	_ =	swait.ge [sflag:s0], $0x4000  }
0xc0: {  	[sflag:s0] =	ssyncset.done $0x0  }
0xc1: {  	s13 =	simm.s32 $0x800;
	[sflag:s0] =	ssyncadd.s32 $0xFFFFC000  }
0xc2: {  	[tilespmem:s7], [sflag:$0x1] =	stream.indirect.gather [hbm4b:s3+s5], $0x80, s13, s5, $0xb8;
	[tilespmem:$0xA000] =	vst v63  }
0xc3: {  	_ =	swait.ge [sflag:s10], $0x4000  }
0xc4: {  	[sflag:s10] =	ssyncset.done $0x0  }
0xc5: {  	[sflag:s10] =	ssyncadd.s32 $0xFFFFC000  }
0xc6: {  	[hbm4b:s20+s4] =	stream.linear.scatter [tilespmem:s8], [sflag:$0x3], $0x4000, $0x38;
	[tilespmem:$0xA000] =	vst v63  }
0xc7: {  	_ =	swait.ge [sflag:s0], $0x4000  }
0xc8: {  	[sflag:s0] =	ssyncset.done $0x0  }
0xc9: {  	s14 =	simm.s32 $0x880;
	[sflag:s0] =	ssyncadd.s32 $0xFFFFC000  }
0xca: {  	[tilespmem:s8], [sflag:$0x2] =	stream.indirect.gather [hbm4b:s3+s5], $0x80, s14, s5, $0xb8;
	[tilespmem:$0xA000] =	vst v63  }
0xcb: {  	_ =	swait.ge [sflag:s9], $0x4000  }
0xcc: {  	[sflag:s9] =	ssyncset.done $0x0  }
0xcd: {  	[sflag:s9] =	ssyncadd.s32 $0xFFFFC000  }
0xce: {  	[hbm4b:s21+s4] =	stream.linear.scatter [tilespmem:s7], [sflag:$0x3], $0x4000, $0x38;
	[tilespmem:$0xA000] =	vst v63  }
0xcf: {  	_ =	swait.ge [sflag:s0], $0x4000  }
0xd0: {  	[sflag:s0] =	ssyncset.done $0x0  }
0xd1: {  	s13 =	simm.s32 $0x900;
	[sflag:s0] =	ssyncadd.s32 $0xFFFFC000  }
0xd2: {  	[tilespmem:s7], [sflag:$0x1] =	stream.indirect.gather [hbm4b:s3+s5], $0x80, s13, s5, $0xb8;
	[tilespmem:$0xA000] =	vst v63  }
0xd3: {  	_ =	swait.ge [sflag:s10], $0x4000  }
0xd4: {  	[sflag:s10] =	ssyncset.done $0x0  }
0xd5: {  	[sflag:s10] =	ssyncadd.s32 $0xFFFFC000  }
0xd6: {  	[hbm4b:s22+s4] =	stream.linear.scatter [tilespmem:s8], [sflag:$0x3], $0x4000, $0x38;
	[tilespmem:$0xA000] =	vst v63  }
0xd7: {  	_ =	swait.ge [sflag:s0], $0x4000  }
0xd8: {  	[sflag:s0] =	ssyncset.done $0x0  }
0xd9: {  	s14 =	simm.s32 $0x980;
	[sflag:s0] =	ssyncadd.s32 $0xFFFFC000  }
0xda: {  	[tilespmem:s8], [sflag:$0x2] =	stream.indirect.gather [hbm4b:s3+s5], $0x80, s14, s5, $0xb8;
	[tilespmem:$0xA000] =	vst v63  }
0xdb: {  	_ =	swait.ge [sflag:s9], $0x4000  }
0xdc: {  	[sflag:s9] =	ssyncset.done $0x0  }
0xdd: {  	[sflag:s9] =	ssyncadd.s32 $0xFFFFC000  }
0xde: {  	[hbm4b:s23+s4] =	stream.linear.scatter [tilespmem:s7], [sflag:$0x3], $0x4000, $0x38;
	[tilespmem:$0xA000] =	vst v63  }
0xdf: {  	_ =	swait.ge [sflag:s0], $0x4000  }
0xe0: {  	[sflag:s0] =	ssyncset.done $0x0  }
0xe1: {  	s13 =	simm.s32 $0xA00;
	[sflag:s0] =	ssyncadd.s32 $0xFFFFC000  }
0xe2: {  	[tilespmem:s7], [sflag:$0x1] =	stream.indirect.gather [hbm4b:s3+s5], $0x80, s13, s5, $0xb8;
	[tilespmem:$0xA000] =	vst v63  }
0xe3: {  	_ =	swait.ge [sflag:s10], $0x4000  }
0xe4: {  	[sflag:s10] =	ssyncset.done $0x0  }
0xe5: {  	[sflag:s10] =	ssyncadd.s32 $0xFFFFC000  }
0xe6: {  	[hbm4b:s24+s4] =	stream.linear.scatter [tilespmem:s8], [sflag:$0x3], $0x4000, $0x38;
	[tilespmem:$0xA000] =	vst v63  }
0xe7: {  	_ =	swait.ge [sflag:s0], $0x4000  }
0xe8: {  	[sflag:s0] =	ssyncset.done $0x0  }
0xe9: {  	s14 =	simm.s32 $0xA80;
	[sflag:s0] =	ssyncadd.s32 $0xFFFFC000  }
0xea: {  	[tilespmem:s8], [sflag:$0x2] =	stream.indirect.gather [hbm4b:s3+s5], $0x80, s14, s5, $0xb8;
	[tilespmem:$0xA000] =	vst v63  }
0xeb: {  	_ =	swait.ge [sflag:s9], $0x4000  }
0xec: {  	[sflag:s9] =	ssyncset.done $0x0  }
0xed: {  	[sflag:s9] =	ssyncadd.s32 $0xFFFFC000  }
0xee: {  	[hbm4b:s25+s4] =	stream.linear.scatter [tilespmem:s7], [sflag:$0x3], $0x4000, $0x38;
	[tilespmem:$0xA000] =	vst v63  }
0xef: {  	_ =	swait.ge [sflag:s0], $0x4000  }
0xf0: {  	[sflag:s0] =	ssyncset.done $0x0  }
0xf1: {  	s13 =	simm.s32 $0xB00;
	[sflag:s0] =	ssyncadd.s32 $0xFFFFC000  }
0xf2: {  	[tilespmem:s7], [sflag:$0x1] =	stream.indirect.gather [hbm4b:s3+s5], $0x80, s13, s5, $0xb8;
	[tilespmem:$0xA000] =	vst v63  }
0xf3: {  	_ =	swait.ge [sflag:s10], $0x4000  }
0xf4: {  	[sflag:s10] =	ssyncset.done $0x0  }
0xf5: {  	[sflag:s10] =	ssyncadd.s32 $0xFFFFC000  }
0xf6: {  	[hbm4b:s26+s4] =	stream.linear.scatter [tilespmem:s8], [sflag:$0x3], $0x4000, $0x38;
	[tilespmem:$0xA000] =	vst v63  }
0xf7: {  	_ =	swait.ge [sflag:s0], $0x4000  }
0xf8: {  	[sflag:s0] =	ssyncset.done $0x0  }
0xf9: {  	s14 =	simm.s32 $0xB80;
	[sflag:s0] =	ssyncadd.s32 $0xFFFFC000  }
0xfa: {  	[tilespmem:s8], [sflag:$0x2] =	stream.indirect.gather [hbm4b:s3+s5], $0x80, s14, s5, $0xb8;
	[tilespmem:$0xA000] =	vst v63  }
0xfb: {  	_ =	swait.ge [sflag:s9], $0x4000  }
0xfc: {  	[sflag:s9] =	ssyncset.done $0x0  }
0xfd: {  	[sflag:s9] =	ssyncadd.s32 $0xFFFFC000  }
0xfe: {  	[hbm4b:s28+s4] =	stream.linear.scatter [tilespmem:s7], [sflag:$0x3], $0x4000, $0x38;
	[tilespmem:$0xA000] =	vst v63  }
0xff: {  	_ =	swait.ge [sflag:s0], $0x4000  }
0x100: {  	[sflag:s0] =	ssyncset.done $0x0  }
0x101: {  	s13 =	simm.s32 $0xC00;
	[sflag:s0] =	ssyncadd.s32 $0xFFFFC000  }
0x102: {  	[tilespmem:s7], [sflag:$0x1] =	stream.indirect.gather [hbm4b:s3+s5], $0x80, s13, s5, $0xb8;
	[tilespmem:$0xA000] =	vst v63  }
0x103: {  	_ =	swait.ge [sflag:s10], $0x4000  }
0x104: {  	[sflag:s10] =	ssyncset.done $0x0  }
0x105: {  	[sflag:s10] =	ssyncadd.s32 $0xFFFFC000  }
0x106: {  	[hbm4b:s29+s4] =	stream.linear.scatter [tilespmem:s8], [sflag:$0x3], $0x4000, $0x38;
	[tilespmem:$0xA000] =	vst v63  }
0x107: {  	_ =	swait.ge [sflag:s0], $0x4000  }
0x108: {  	[sflag:s0] =	ssyncset.done $0x0  }
0x109: {  	s14 =	simm.s32 $0xC80;
	[sflag:s0] =	ssyncadd.s32 $0xFFFFC000  }
0x10a: {  	[tilespmem:s8], [sflag:$0x2] =	stream.indirect.gather [hbm4b:s3+s5], $0x80, s14, s5, $0xb8;
	[tilespmem:$0xA000] =	vst v63  }
0x10b: {  	_ =	swait.ge [sflag:s9], $0x4000  }
0x10c: {  	[sflag:s9] =	ssyncset.done $0x0  }
0x10d: {  	[sflag:s9] =	ssyncadd.s32 $0xFFFFC000  }
0x10e: {  	[hbm4b:s30+s4] =	stream.linear.scatter [tilespmem:s7], [sflag:$0x3], $0x4000, $0x38;
	[tilespmem:$0xA000] =	vst v63  }
0x10f: {  	_ =	swait.ge [sflag:s0], $0x4000  }
0x110: {  	[sflag:s0] =	ssyncset.done $0x0  }
0x111: {  	[sflag:s0] =	ssyncadd.s32 $0xFFFFC000  }
0x112: {  	s11 =	sadd.s32 $0x1, s11;
	_ =	swait.ge [sflag:s10], $0x4000  }
0x113: {  	p0 =	sne.s32 s11, s1;
	[sflag:s10] =	ssyncset.done $0x0  }
.Ltmp1:
0x114: {  	[sflag:s10] =	ssyncadd.s32 $0xFFFFC000;
	(pc) =	sbr.rel @p0 .LBB2_1-.Ltmp1, $4  }
0x115: {  	[hbm4b:s31+s4] =	stream.linear.scatter [tilespmem:s8], [sflag:$0x3], $0x4000, $0x38;
	[tilespmem:$0xA000] =	vst v63  }
0x116: {  	_ =	swait.ge [sflag:s0], $0x4000  }
0x117: {  	[sflag:s0] =	ssyncset.done $0x0  }
0x118: {  	[sflag:s0] =	ssyncadd.s32 $0xFFFFC000  }
0x119: {  	_ =	sfence.sel $0x180000  }
0x11a: {  	[bflag:$0x0] =	sbarrier.arrive $0xFFFF  }
0x11b: {  	_ =	strace $0x90000047  }
0x11c: {  	s0 =	stileid.u32;
	[bflag:$0x2] =	sbarrier.arrive $0xFFFF  }
0x11d: {  	p0 =	sne.s32 s0, $0x0;
	s0 =	rddreg [dreg:$0x4]  }
0x11e: {  	s0 =	sadd.s32 @!p0 $0x100000, s0  }
0x11f: {  	[sflag:s0] =	ssyncadd.tile.s32 @!p0 $0x1;
	_ =	shalt  }
.Lfunc_end2:
_tile_overlayer_lowered:
.L_overlay_start_2:
0x120: {  	(tag) =	ssettag $0x2  }
0x121: {  	s0 =	rddreg [dreg:$0x0];
	s2 =	stileid.u32  }
0x122: {  	s1 =	rddreg [dreg:$0x1];
	p0 =	sne.s32 s2, $0x0  }
0x123: {  	s3 =	rddreg [dreg:$0x2];
	[bflag:$0x3] =	sbarrier.arrive $0xFFFF;
	s2 =	simm.s32 @!p0 $0x1C03  }
0x124: {  	[timem:s3], [sflag:s2] =	dma.local @!p0 [hbm:s0], s1  }
0x125: {  	s0 =	simm.s32 @!p0 $0x3  }
0x126: {  	_ =	swait.ge @!p0 [sflag:s0], s1  }
0x127: {  	s1 =	ssub.s32 @!p0 $0x0, s1;
	[sflag:s0] =	ssyncset.done @!p0 $0x0  }
0x128: {  	[sflag:s0] =	ssyncadd.s32 @!p0 s1  }
0x129: {  	[bflag:$0x3] =	sbarrier.arrive $0xFFFF  }
0x12a: {  	_ =	shalt  }

</sc_bundles>
